<compile_context>
chip_gen: v7x
topology: tpu7x:2x2x1
jax: 0.10.2.dev20260603
libtpu: 0.0.44.dev20260713+nightly
codegen_flags: <defaults>
</compile_context>

<pallas_src>
import functools

import jax
import jax.numpy as jnp
from jax import lax
from jax.experimental import pallas as pl
from jax.experimental.pallas import tpu as pltpu
from jax.experimental.pallas import tpu_sc as plsc

N_NODES = 10000
D = 128
N_EDGES = 320000
BN_EPS = 1e-5

NC = 2
NS = 16
NW = NC * NS
EW = N_EDGES // NW
CK = 80
CH = EW // CK
NBUF = 2
NPAD = 10240
RT = NPAD // NS


def _sc_aggregate(x, col_w, row_w):
    mesh = plsc.VectorSubcoreMesh(core_axis_name="c", subcore_axis_name="s")

    @functools.partial(
        pl.kernel,
        out_type=jax.ShapeDtypeStruct((NC, NPAD, D), jnp.float32),
        mesh=mesh,
        scratch_types=[
            pltpu.VMEM_SHARED((NPAD, D), jnp.float32),
            pltpu.VMEM((EW,), jnp.int32),
            pltpu.VMEM((CH, CK), jnp.int32),
            pltpu.VMEM((NBUF, CK, D), jnp.float32),
            [pltpu.SemaphoreType.DMA] * NBUF,
            [pltpu.SemaphoreType.DMA] * NBUF,
        ],
    )
    def agg_kernel(x_hbm, col_hbm, row_hbm, out_hbm, acc, cidx, ridx, rows,
                   gsems, ssems):
        core = lax.axis_index("c")
        sid = lax.axis_index("s")
        wid = sid * NC + core

        pltpu.async_copy(col_hbm.at[wid], cidx, ssems[0])
        pltpu.async_copy(row_hbm.at[wid], ridx, ssems[1])

        def _zfill(k, carry):
            for j in range(D // 16):
                rows[0, k, pl.ds(j * 16, 16)] = jnp.zeros((16,), jnp.float32)
            return carry
        lax.fori_loop(0, CK, _zfill, 0)

        def _zcopy(b, carry):
            pltpu.sync_copy(rows.at[0], acc.at[pl.ds(sid * RT + b * CK, CK)])
            return carry
        lax.fori_loop(0, RT // CK, _zcopy, 0)

        pltpu.make_async_copy(col_hbm.at[wid], cidx, ssems[0]).wait()
        pltpu.make_async_copy(row_hbm.at[wid], ridx, ssems[1]).wait()
        for b in range(NBUF):
            pltpu.async_copy(x_hbm.at[cidx.at[pl.ds(b * CK, CK)]],
                             rows.at[b], gsems[b])
        plsc.subcore_barrier()

        def _round(i, carry):
            for b in range(NBUF):
                c = i * NBUF + b
                pltpu.make_async_copy(x_hbm.at[pl.ds(0, CK)], rows.at[b],
                                      gsems[b]).wait()
                pltpu.sync_copy(rows.at[b], acc.at[ridx.at[c]], add=True)

                @pl.when(c + NBUF < CH)
                def _():
                    pltpu.async_copy(
                        x_hbm.at[cidx.at[pl.ds((c + NBUF) * CK, CK)]],
                        rows.at[b], gsems[b])
            return carry
        lax.fori_loop(0, CH // NBUF, _round, 0)
        pltpu.make_async_copy(x_hbm.at[pl.ds(0, CK)], rows.at[0],
                              gsems[0]).wait()
        pltpu.sync_copy(rows.at[0], acc.at[ridx.at[CH - 1]], add=True)
        plsc.subcore_barrier()

        pltpu.sync_copy(acc.at[pl.ds(sid * RT, RT)],
                        out_hbm.at[core, pl.ds(sid * RT, RT)])

    return agg_kernel(x, col_w, row_w)


BLK = 2000
NB = N_NODES // BLK


def _mlp_body(x_hbm, p_hbm, eps_ref, w1_ref, b1_ref, g1_ref, be1_ref,
              w2_ref, b2_ref, g2_ref, be2_ref, o_hbm,
              h_ref, xb, pb, ob, semx, semp, semo):
    eps = eps_ref[0]
    w1 = w1_ref[...].astype(jnp.bfloat16)
    w2 = w2_ref[...].astype(jnp.bfloat16)

    def start_in(i):
        b = i % 2
        r = pl.ds(i * BLK, BLK)
        return (pltpu.async_copy(x_hbm.at[r], xb.at[b], semx.at[b]),
                pltpu.async_copy(p_hbm.at[0, r], pb.at[0, b], semp.at[0, b]),
                pltpu.async_copy(p_hbm.at[1, r], pb.at[1, b], semp.at[1, b]))

    pend = start_in(0)
    s1 = jnp.zeros((1, D), jnp.float32)
    s2 = jnp.zeros((1, D), jnp.float32)
    for i in range(NB):
        b = i % 2
        nxt = start_in(i + 1) if i + 1 < NB else None
        for d in pend:
            d.wait()
        out = (1.0 + eps) * xb[b] + pb[0, b] + pb[1, b]
        h = lax.dot_general(out.astype(jnp.bfloat16), w1,
                            (((1,), (1,)), ((), ())),
                            preferred_element_type=jnp.float32)
        h = h + b1_ref[...]
        h_ref[pl.ds(i * BLK, BLK), :] = h
        s1 = s1 + jnp.sum(h, axis=0, keepdims=True)
        s2 = s2 + jnp.sum(h * h, axis=0, keepdims=True)
        pend = nxt

    mean = s1 * (1.0 / N_NODES)
    var = s2 * (1.0 / N_NODES) - mean * mean
    a1 = g1_ref[...] * lax.rsqrt(var + BN_EPS)
    c1 = be1_ref[...] - mean * a1

    s1 = jnp.zeros((1, D), jnp.float32)
    s2 = jnp.zeros((1, D), jnp.float32)
    for i in range(NB):
        r = pl.ds(i * BLK, BLK)
        h = jnp.maximum(h_ref[r, :] * a1 + c1, 0.0)
        h = lax.dot_general(h.astype(jnp.bfloat16), w2,
                            (((1,), (1,)), ((), ())),
                            preferred_element_type=jnp.float32)
        h = h + b2_ref[...]
        h_ref[r, :] = h
        s1 = s1 + jnp.sum(h, axis=0, keepdims=True)
        s2 = s2 + jnp.sum(h * h, axis=0, keepdims=True)

    mean = s1 * (1.0 / N_NODES)
    var = s2 * (1.0 / N_NODES) - mean * mean
    a2 = g2_ref[...] * lax.rsqrt(var + BN_EPS)
    c2 = be2_ref[...] - mean * a2

    dob = [None, None]
    for i in range(NB):
        b = i % 2
        r = pl.ds(i * BLK, BLK)
        if dob[b] is not None:
            dob[b].wait()
        ob[b] = jnp.maximum(h_ref[r, :] * a2 + c2, 0.0)
        dob[b] = pltpu.async_copy(ob.at[b], o_hbm.at[r], semo.at[b])
    for d in dob:
        d.wait()


def _mlp(x, partials, eps, W1, b1, g1, be1, W2, b2, g2, be2):
    vmem = pl.BlockSpec(memory_space=pltpu.VMEM)
    anym = pl.BlockSpec(memory_space=pltpu.MemorySpace.HBM)
    smem = pl.BlockSpec(memory_space=pltpu.SMEM)
    return pl.pallas_call(
        _mlp_body,
        in_specs=[anym, anym, smem] + [vmem] * 8,
        out_specs=anym,
        out_shape=jax.ShapeDtypeStruct((N_NODES, D), jnp.float32),
        scratch_shapes=[
            pltpu.VMEM((N_NODES, D), jnp.float32),
            pltpu.VMEM((2, BLK, D), jnp.float32),
            pltpu.VMEM((2, 2, BLK, D), jnp.float32),
            pltpu.VMEM((2, BLK, D), jnp.float32),
            pltpu.SemaphoreType.DMA((2,)),
            pltpu.SemaphoreType.DMA((2, 2)),
            pltpu.SemaphoreType.DMA((2,)),
        ],
    )(x, partials, eps, W1, b1.reshape(1, D), g1.reshape(1, D),
      be1.reshape(1, D), W2, b2.reshape(1, D), g2.reshape(1, D),
      be2.reshape(1, D))


def kernel(x, edge_index, eps, W1, b1, g1, be1, W2, b2, g2, be2):
    row = edge_index[0].astype(jnp.int32).reshape(NW, CH, CK)
    col = edge_index[1].astype(jnp.int32).reshape(NW, EW)
    partials = _sc_aggregate(x, col, row)
    return _mlp(x, partials, eps, W1, b1, g1, be1, W2, b2, g2, be2)

# --- scband reference (transcript-rebuilt; emitter-appended) ---
"""Pipeline reference for scband-ginlayer-36335423324483 (READ-ONLY COPY).

The authoritative reference and input builder live on the scoring server;
editing this copy changes nothing except your own understanding.
"""

import jax, jax.numpy as jnp
import numpy as np

N_NODES = 10000
D_IN = 128
D_OUT = 128
N_EDGES = 320000
BN_EPS = 1e-5


def setup_inputs(seed: int = 0) -> dict:
    key = jax.random.key(seed)
    ks = jax.random.split(key, 8)
    x = jax.random.normal(ks[0], (N_NODES, D_IN), dtype=jnp.float32)
    edge_index = jax.random.randint(ks[1], (2, N_EDGES), 0, N_NODES, dtype=jnp.int64)
    # learned params (PyTorch Linear init: U(-1/sqrt(fan_in), 1/sqrt(fan_in)))
    lim1 = 1.0 / np.sqrt(D_IN)
    lim2 = 1.0 / np.sqrt(D_OUT)
    W1 = jax.random.uniform(ks[2], (D_OUT, D_IN), minval=-lim1, maxval=lim1, dtype=jnp.float32)
    b1 = jax.random.uniform(ks[3], (D_OUT,), minval=-lim1, maxval=lim1, dtype=jnp.float32)
    W2 = jax.random.uniform(ks[4], (D_OUT, D_OUT), minval=-lim2, maxval=lim2, dtype=jnp.float32)
    b2 = jax.random.uniform(ks[5], (D_OUT,), minval=-lim2, maxval=lim2, dtype=jnp.float32)
    eps = jnp.zeros((1,), dtype=jnp.float32)  # GIN epsilon parameter, init 0.0
    g1 = jnp.ones((D_OUT,), dtype=jnp.float32)
    be1 = jnp.zeros((D_OUT,), dtype=jnp.float32)
    g2 = jnp.ones((D_OUT,), dtype=jnp.float32)
    be2 = jnp.zeros((D_OUT,), dtype=jnp.float32)
    return {"x": x, "edge_index": edge_index, "eps": eps, "W1": W1, "b1": b1,
            "g1": g1, "be1": be1, "W2": W2, "b2": b2, "g2": g2, "be2": be2}


def _batchnorm_train(h, gamma, beta):
    mean = jnp.mean(h, axis=0)
    var = jnp.mean((h - mean) ** 2, axis=0)  # biased variance, matches BN training
    return (h - mean) / jnp.sqrt(var + BN_EPS) * gamma + beta


def reference(x, edge_index, eps, W1, b1, g1, be1, W2, b2, g2, be2):
    row = edge_index[0]
    col = edge_index[1]
    # scatter-add aggregation: agg[row] += x[col]
    agg = jnp.zeros_like(x).at[row].add(x[col])
    out = (1.0 + eps[0]) * x + agg
    # MLP: Linear -> BN -> ReLU -> Linear -> BN -> ReLU (training-mode BN)
    h = out @ W1.T + b1
    h = _batchnorm_train(h, g1, be1)
    h = jnp.maximum(h, 0.0)
    h = h @ W2.T + b2
    h = _batchnorm_train(h, g2, be2)
    h = jnp.maximum(h, 0.0)
    return h

if __name__ == "__main__":
    import jax
    _d = setup_inputs()
    print(jax.jit(kernel)(*tuple(_d.values())))

</pallas_src>

<mosaic_0001>
#map = affine_map<(d0, d1) -> (0, 0)>
#map1 = affine_map<(d0, d1) -> (0, 0, 0)>
module attributes {stable_mosaic.version = 14 : i64} {
  func.func @agg_kernel(%arg0: i32, %arg1: i32, %arg2: memref<10000x128xf32, #tpu.memory_space<hbm>>, %arg3: memref<32x10000xi32, #tpu.memory_space<hbm>>, %arg4: memref<32x125x80xi32, #tpu.memory_space<hbm>>, %arg5: memref<2x10240x128xf32, #tpu.memory_space<hbm>>, %arg6: memref<10240x128xf32, #tpu.memory_space<vmem_shared>>, %arg7: memref<10000xi32, #tpu.memory_space<vmem>>, %arg8: memref<125x80xi32, #tpu.memory_space<vmem>>, %arg9: memref<2x80x128xf32, #tpu.memory_space<vmem>>, %arg10: memref<!tpu.dma_semaphore, #tpu.memory_space<semaphore_mem>>, %arg11: memref<!tpu.dma_semaphore, #tpu.memory_space<semaphore_mem>>, %arg12: memref<!tpu.dma_semaphore, #tpu.memory_space<semaphore_mem>>, %arg13: memref<!tpu.dma_semaphore, #tpu.memory_space<semaphore_mem>>) attributes {dimension_semantics = [#tpu.dimension_semantics<core_parallel>, #tpu.dimension_semantics<subcore_parallel>], iteration_bounds = array<i64: 2, 16>, scalar_prefetch = 0 : i64, scratch_operands = 8 : i64, tpu.core_type = #tpu.core_type<sc_vector_subcore>, window_params = [{transform_indices = #map}, {transform_indices = #map}, {transform_indices = #map1}, {transform_indices = #map1}]} {
    %mul3A = arith.constant 2 : i32
    %mul3A_0 = arith.muli %arg1, %mul3A : i32
    %add3A = arith.addi %mul3A_0, %arg0 : i32
    %dma_start3A = arith.constant 0 : i32
    %dma_start3A_1 = tpu.memref_slice %arg3[%add3A, %dma_start3A] : memref<32x10000xi32, #tpu.memory_space<hbm>> -> memref<1x10000xi32, #tpu.memory_space<hbm>>
    %dma_start3A_2 = tpu.memref_squeeze %dma_start3A_1 : memref<1x10000xi32, #tpu.memory_space<hbm>> -> memref<10000xi32, #tpu.memory_space<hbm>>
    %dma_start3A_3 = arith.constant 0 : i32
    %dma_start3A_4 = tpu.memref_slice %arg3[%add3A, %dma_start3A_3] : memref<32x10000xi32, #tpu.memory_space<hbm>> -> memref<1x10000xi32, #tpu.memory_space<hbm>>
    %dma_start3A_5 = tpu.memref_squeeze %dma_start3A_4 : memref<1x10000xi32, #tpu.memory_space<hbm>> -> memref<10000xi32, #tpu.memory_space<hbm>>
    tpu.enqueue_dma source(%dma_start3A_5 : memref<10000xi32, #tpu.memory_space<hbm>>) target(%arg7 : memref<10000xi32, #tpu.memory_space<vmem>>) target_semaphore(%arg12 : memref<!tpu.dma_semaphore, #tpu.memory_space<semaphore_mem>>)
    %dma_start3A_6 = arith.constant 0 : i32
    %dma_start3A_7 = arith.constant 0 : i32
    %dma_start3A_8 = tpu.memref_slice %arg4[%add3A, %dma_start3A_6, %dma_start3A_7] : memref<32x125x80xi32, #tpu.memory_space<hbm>> -> memref<1x125x80xi32, #tpu.memory_space<hbm>>
    %dma_start3A_9 = tpu.memref_squeeze %dma_start3A_8 : memref<1x125x80xi32, #tpu.memory_space<hbm>> -> memref<125x80xi32, #tpu.memory_space<hbm>>
    %dma_start3A_10 = arith.constant 0 : i32
    %dma_start3A_11 = arith.constant 0 : i32
    %dma_start3A_12 = tpu.memref_slice %arg4[%add3A, %dma_start3A_10, %dma_start3A_11] : memref<32x125x80xi32, #tpu.memory_space<hbm>> -> memref<1x125x80xi32, #tpu.memory_space<hbm>>
    %dma_start3A_13 = tpu.memref_squeeze %dma_start3A_12 : memref<1x125x80xi32, #tpu.memory_space<hbm>> -> memref<125x80xi32, #tpu.memory_space<hbm>>
    tpu.enqueue_dma source(%dma_start3A_13 : memref<125x80xi32, #tpu.memory_space<hbm>>) target(%arg8 : memref<125x80xi32, #tpu.memory_space<vmem>>) target_semaphore(%arg13 : memref<!tpu.dma_semaphore, #tpu.memory_space<semaphore_mem>>)
    %scan3A = arith.constant 0 : i32
    %scan3A_14 = arith.constant 0 : i32
    %scan3A_15 = arith.constant 80 : i32
    %scan3A_16 = arith.addi %scan3A_14, %scan3A_15 : i32
    %scan3A_17 = arith.constant 1 : i32
    scf.for %scan3A_85 = %scan3A_14 to %scan3A_16 step %scan3A_17  : i32 {
      %broadcast_in_dim3A = arith.constant 0.000000e+00 : f32
      %broadcast_in_dim3A_86 = vector.broadcast %broadcast_in_dim3A : f32 to vector<16xf32>
      %swap3A = arith.constant 0 : i32
      %swap3A_87 = arith.index_cast %swap3A : i32 to index
      %swap3A_88 = arith.index_cast %scan3A_85 : i32 to index
      %swap3A_89 = arith.constant 0 : index
      %swap3A_90 = tpu.vector_load %arg9[%swap3A_87, %swap3A_88, %swap3A_89] {strides = array<i32>} : memref<2x80x128xf32, #tpu.memory_space<vmem>>, vector<1x1x16xf32>,
      %swap3A_91 = vector.shape_cast %swap3A_90 : vector<1x1x16xf32> to vector<16xf32>
      %swap3A_92 = vector.shape_cast %broadcast_in_dim3A_86 : vector<16xf32> to vector<1x1x16xf32>
      tpu.vector_store %arg9[%swap3A_87, %swap3A_88, %swap3A_89], %swap3A_92 {strides = array<i32>} : memref<2x80x128xf32, #tpu.memory_space<vmem>>, vector<1x1x16xf32>,
      %broadcast_in_dim3A_93 = arith.constant 0.000000e+00 : f32
      %broadcast_in_dim3A_94 = vector.broadcast %broadcast_in_dim3A_93 : f32 to vector<16xf32>
      %swap3A_95 = arith.constant 0 : i32
      %swap3A_96 = arith.index_cast %swap3A_95 : i32 to index
      %swap3A_97 = arith.index_cast %scan3A_85 : i32 to index
      %swap3A_98 = arith.constant 16 : index
      %swap3A_99 = tpu.vector_load %arg9[%swap3A_96, %swap3A_97, %swap3A_98] {strides = array<i32>} : memref<2x80x128xf32, #tpu.memory_space<vmem>>, vector<1x1x16xf32>,
      %swap3A_100 = vector.shape_cast %swap3A_99 : vector<1x1x16xf32> to vector<16xf32>
      %swap3A_101 = vector.shape_cast %broadcast_in_dim3A_94 : vector<16xf32> to vector<1x1x16xf32>
      tpu.vector_store %arg9[%swap3A_96, %swap3A_97, %swap3A_98], %swap3A_101 {strides = array<i32>} : memref<2x80x128xf32, #tpu.memory_space<vmem>>, vector<1x1x16xf32>,
      %broadcast_in_dim3A_102 = arith.constant 0.000000e+00 : f32
      %broadcast_in_dim3A_103 = vector.broadcast %broadcast_in_dim3A_102 : f32 to vector<16xf32>
      %swap3A_104 = arith.constant 0 : i32
      %swap3A_105 = arith.index_cast %swap3A_104 : i32 to index
      %swap3A_106 = arith.index_cast %scan3A_85 : i32 to index
      %swap3A_107 = arith.constant 32 : index
      %swap3A_108 = tpu.vector_load %arg9[%swap3A_105, %swap3A_106, %swap3A_107] {strides = array<i32>} : memref<2x80x128xf32, #tpu.memory_space<vmem>>, vector<1x1x16xf32>,
      %swap3A_109 = vector.shape_cast %swap3A_108 : vector<1x1x16xf32> to vector<16xf32>
      %swap3A_110 = vector.shape_cast %broadcast_in_dim3A_103 : vector<16xf32> to vector<1x1x16xf32>
      tpu.vector_store %arg9[%swap3A_105, %swap3A_106, %swap3A_107], %swap3A_110 {strides = array<i32>} : memref<2x80x128xf32, #tpu.memory_space<vmem>>, vector<1x1x16xf32>,
      %broadcast_in_dim3A_111 = arith.constant 0.000000e+00 : f32
      %broadcast_in_dim3A_112 = vector.broadcast %broadcast_in_dim3A_111 : f32 to vector<16xf32>
      %swap3A_113 = arith.constant 0 : i32
      %swap3A_114 = arith.index_cast %swap3A_113 : i32 to index
      %swap3A_115 = arith.index_cast %scan3A_85 : i32 to index
      %swap3A_116 = arith.constant 48 : index
      %swap3A_117 = tpu.vector_load %arg9[%swap3A_114, %swap3A_115, %swap3A_116] {strides = array<i32>} : memref<2x80x128xf32, #tpu.memory_space<vmem>>, vector<1x1x16xf32>,
      %swap3A_118 = vector.shape_cast %swap3A_117 : vector<1x1x16xf32> to vector<16xf32>
      %swap3A_119 = vector.shape_cast %broadcast_in_dim3A_112 : vector<16xf32> to vector<1x1x16xf32>
      tpu.vector_store %arg9[%swap3A_114, %swap3A_115, %swap3A_116], %swap3A_119 {strides = array<i32>} : memref<2x80x128xf32, #tpu.memory_space<vmem>>, vector<1x1x16xf32>,
      %broadcast_in_dim3A_120 = arith.constant 0.000000e+00 : f32
      %broadcast_in_dim3A_121 = vector.broadcast %broadcast_in_dim3A_120 : f32 to vector<16xf32>
      %swap3A_122 = arith.constant 0 : i32
      %swap3A_123 = arith.index_cast %swap3A_122 : i32 to index
      %swap3A_124 = arith.index_cast %scan3A_85 : i32 to index
      %swap3A_125 = arith.constant 64 : index
      %swap3A_126 = tpu.vector_load %arg9[%swap3A_123, %swap3A_124, %swap3A_125] {strides = array<i32>} : memref<2x80x128xf32, #tpu.memory_space<vmem>>, vector<1x1x16xf32>,
      %swap3A_127 = vector.shape_cast %swap3A_126 : vector<1x1x16xf32> to vector<16xf32>
      %swap3A_128 = vector.shape_cast %broadcast_in_dim3A_121 : vector<16xf32> to vector<1x1x16xf32>
      tpu.vector_store %arg9[%swap3A_123, %swap3A_124, %swap3A_125], %swap3A_128 {strides = array<i32>} : memref<2x80x128xf32, #tpu.memory_space<vmem>>, vector<1x1x16xf32>,
      %broadcast_in_dim3A_129 = arith.constant 0.000000e+00 : f32
      %broadcast_in_dim3A_130 = vector.broadcast %broadcast_in_dim3A_129 : f32 to vector<16xf32>
      %swap3A_131 = arith.constant 0 : i32
      %swap3A_132 = arith.index_cast %swap3A_131 : i32 to index
      %swap3A_133 = arith.index_cast %scan3A_85 : i32 to index
      %swap3A_134 = arith.constant 80 : index
      %swap3A_135 = tpu.vector_load %arg9[%swap3A_132, %swap3A_133, %swap3A_134] {strides = array<i32>} : memref<2x80x128xf32, #tpu.memory_space<vmem>>, vector<1x1x16xf32>,
      %swap3A_136 = vector.shape_cast %swap3A_135 : vector<1x1x16xf32> to vector<16xf32>
      %swap3A_137 = vector.shape_cast %broadcast_in_dim3A_130 : vector<16xf32> to vector<1x1x16xf32>
      tpu.vector_store %arg9[%swap3A_132, %swap3A_133, %swap3A_134], %swap3A_137 {strides = array<i32>} : memref<2x80x128xf32, #tpu.memory_space<vmem>>, vector<1x1x16xf32>,
      %broadcast_in_dim3A_138 = arith.constant 0.000000e+00 : f32
      %broadcast_in_dim3A_139 = vector.broadcast %broadcast_in_dim3A_138 : f32 to vector<16xf32>
      %swap3A_140 = arith.constant 0 : i32
      %swap3A_141 = arith.index_cast %swap3A_140 : i32 to index
      %swap3A_142 = arith.index_cast %scan3A_85 : i32 to index
      %swap3A_143 = arith.constant 96 : index
      %swap3A_144 = tpu.vector_load %arg9[%swap3A_141, %swap3A_142, %swap3A_143] {strides = array<i32>} : memref<2x80x128xf32, #tpu.memory_space<vmem>>, vector<1x1x16xf32>,
      %swap3A_145 = vector.shape_cast %swap3A_144 : vector<1x1x16xf32> to vector<16xf32>
      %swap3A_146 = vector.shape_cast %broadcast_in_dim3A_139 : vector<16xf32> to vector<1x1x16xf32>
      tpu.vector_store %arg9[%swap3A_141, %swap3A_142, %swap3A_143], %swap3A_146 {strides = array<i32>} : memref<2x80x128xf32, #tpu.memory_space<vmem>>, vector<1x1x16xf32>,
      %broadcast_in_dim3A_147 = arith.constant 0.000000e+00 : f32
      %broadcast_in_dim3A_148 = vector.broadcast %broadcast_in_dim3A_147 : f32 to vector<16xf32>
      %swap3A_149 = arith.constant 0 : i32
      %swap3A_150 = arith.index_cast %swap3A_149 : i32 to index
      %swap3A_151 = arith.index_cast %scan3A_85 : i32 to index
      %swap3A_152 = arith.constant 112 : index
      %swap3A_153 = tpu.vector_load %arg9[%swap3A_150, %swap3A_151, %swap3A_152] {strides = array<i32>} : memref<2x80x128xf32, #tpu.memory_space<vmem>>, vector<1x1x16xf32>,
      %swap3A_154 = vector.shape_cast %swap3A_153 : vector<1x1x16xf32> to vector<16xf32>
      %swap3A_155 = vector.shape_cast %broadcast_in_dim3A_148 : vector<16xf32> to vector<1x1x16xf32>
      tpu.vector_store %arg9[%swap3A_150, %swap3A_151, %swap3A_152], %swap3A_155 {strides = array<i32>} : memref<2x80x128xf32, #tpu.memory_space<vmem>>, vector<1x1x16xf32>,
    }
    %scan3A_18 = arith.constant 80 : i32
    %scan3A_19 = arith.constant 0 : i32
    %scan3A_20 = arith.constant 0 : i32
    %scan3A_21 = arith.constant 8 : i32
    %scan3A_22 = arith.addi %scan3A_20, %scan3A_21 : i32
    %scan3A_23 = arith.constant 1 : i32
    scf.for %scan3A_85 = %scan3A_20 to %scan3A_22 step %scan3A_23  : i32 {
      %mul3A_86 = arith.constant 640 : i32
      %mul3A_87 = arith.muli %arg1, %mul3A_86 : i32
      %mul3A_88 = arith.constant 80 : i32
      %mul3A_89 = arith.muli %scan3A_85, %mul3A_88 : i32
      %add3A_90 = arith.addi %mul3A_87, %mul3A_89 : i32
      %run_scoped3A_91 = arith.constant 0 : i32
      "tpu.region"() ({
        %run_scoped3A_92 = tpu.sem_alloc : memref<!tpu.dma_semaphore, #tpu.memory_space<semaphore_mem>>
        %dma_start3A_93 = arith.constant 0 : i32
        %dma_start3A_94 = arith.constant 0 : i32
        %dma_start3A_95 = tpu.memref_slice %arg9[%run_scoped3A_91, %dma_start3A_93, %dma_start3A_94] : memref<2x80x128xf32, #tpu.memory_space<vmem>> -> memref<1x80x128xf32, #tpu.memory_space<vmem>>
        %dma_start3A_96 = tpu.memref_squeeze %dma_start3A_95 : memref<1x80x128xf32, #tpu.memory_space<vmem>> -> memref<80x128xf32, #tpu.memory_space<vmem>>
        %dma_start3A_97 = arith.constant 0 : i32
        %dma_start3A_98 = tpu.memref_slice %arg6[%add3A_90, %dma_start3A_97] : memref<10240x128xf32, #tpu.memory_space<vmem_shared>> -> memref<80x128xf32, #tpu.memory_space<vmem_shared>>
        %dma_start3A_99 = arith.constant 0 : i32
        %dma_start3A_100 = tpu.memref_slice %arg6[%add3A_90, %dma_start3A_99] : memref<10240x128xf32, #tpu.memory_space<vmem_shared>> -> memref<80x128xf32, #tpu.memory_space<vmem_shared>>
        %dma_start3A_101 = arith.constant 0 : i32
        %dma_start3A_102 = arith.constant 0 : i32
        %dma_start3A_103 = tpu.memref_slice %arg9[%run_scoped3A_91, %dma_start3A_101, %dma_start3A_102] : memref<2x80x128xf32, #tpu.memory_space<vmem>> -> memref<1x80x128xf32, #tpu.memory_space<vmem>>
        %dma_start3A_104 = tpu.memref_squeeze %dma_start3A_103 : memref<1x80x128xf32, #tpu.memory_space<vmem>> -> memref<80x128xf32, #tpu.memory_space<vmem>>
        tpu.enqueue_dma source(%dma_start3A_104 : memref<80x128xf32, #tpu.memory_space<vmem>>) target(%dma_start3A_100 : memref<80x128xf32, #tpu.memory_space<vmem_shared>>) target_semaphore(%run_scoped3A_92 : memref<!tpu.dma_semaphore, #tpu.memory_space<semaphore_mem>>)
        %dma_wait3A_105 = arith.constant 0 : i32
        %dma_wait3A_106 = arith.constant 0 : i32
        %dma_wait3A_107 = tpu.memref_slice %arg9[%run_scoped3A_91, %dma_wait3A_105, %dma_wait3A_106] : memref<2x80x128xf32, #tpu.memory_space<vmem>> -> memref<1x80x128xf32, #tpu.memory_space<vmem>>
        %dma_wait3A_108 = tpu.memref_squeeze %dma_wait3A_107 : memref<1x80x128xf32, #tpu.memory_space<vmem>> -> memref<80x128xf32, #tpu.memory_space<vmem>>
        %dma_wait3A_109 = arith.constant 0 : i32
        %dma_wait3A_110 = tpu.memref_slice %arg6[%add3A_90, %dma_wait3A_109] : memref<10240x128xf32, #tpu.memory_space<vmem_shared>> -> memref<80x128xf32, #tpu.memory_space<vmem_shared>>
        %dma_wait3A_111 = arith.constant 0 : i32
        %dma_wait3A_112 = tpu.memref_slice %arg6[%add3A_90, %dma_wait3A_111] : memref<10240x128xf32, #tpu.memory_space<vmem_shared>> -> memref<80x128xf32, #tpu.memory_space<vmem_shared>>
        %dma_wait3A_113 = arith.constant 0 : i32
        %dma_wait3A_114 = arith.constant 0 : i32
        %dma_wait3A_115 = tpu.memref_slice %arg9[%run_scoped3A_91, %dma_wait3A_113, %dma_wait3A_114] : memref<2x80x128xf32, #tpu.memory_space<vmem>> -> memref<1x80x128xf32, #tpu.memory_space<vmem>>
        %dma_wait3A_116 = tpu.memref_squeeze %dma_wait3A_115 : memref<1x80x128xf32, #tpu.memory_space<vmem>> -> memref<80x128xf32, #tpu.memory_space<vmem>>
        tpu.wait_dma2 semaphore(%run_scoped3A_92 : memref<!tpu.dma_semaphore, #tpu.memory_space<semaphore_mem>>) src(%dma_wait3A_116 : memref<80x128xf32, #tpu.memory_space<vmem>>) dst(%dma_wait3A_112 : memref<80x128xf32, #tpu.memory_space<vmem_shared>>)
        tpu.yield
      }) : () -> ()
    }
    %scan3A_24 = arith.constant 8 : i32
    %dma_wait3A = arith.constant 0 : i32
    %dma_wait3A_25 = tpu.memref_slice %arg3[%add3A, %dma_wait3A] : memref<32x10000xi32, #tpu.memory_space<hbm>> -> memref<1x10000xi32, #tpu.memory_space<hbm>>
    %dma_wait3A_26 = tpu.memref_squeeze %dma_wait3A_25 : memref<1x10000xi32, #tpu.memory_space<hbm>> -> memref<10000xi32, #tpu.memory_space<hbm>>
    %dma_wait3A_27 = arith.constant 0 : i32
    %dma_wait3A_28 = tpu.memref_slice %arg3[%add3A, %dma_wait3A_27] : memref<32x10000xi32, #tpu.memory_space<hbm>> -> memref<1x10000xi32, #tpu.memory_space<hbm>>
    %dma_wait3A_29 = tpu.memref_squeeze %dma_wait3A_28 : memref<1x10000xi32, #tpu.memory_space<hbm>> -> memref<10000xi32, #tpu.memory_space<hbm>>
    tpu.wait_dma2 semaphore(%arg12 : memref<!tpu.dma_semaphore, #tpu.memory_space<semaphore_mem>>) src(%dma_wait3A_29 : memref<10000xi32, #tpu.memory_space<hbm>>) dst(%arg7 : memref<10000xi32, #tpu.memory_space<vmem>>)
    %dma_wait3A_30 = arith.constant 0 : i32
    %dma_wait3A_31 = arith.constant 0 : i32
    %dma_wait3A_32 = tpu.memref_slice %arg4[%add3A, %dma_wait3A_30, %dma_wait3A_31] : memref<32x125x80xi32, #tpu.memory_space<hbm>> -> memref<1x125x80xi32, #tpu.memory_space<hbm>>
    %dma_wait3A_33 = tpu.memref_squeeze %dma_wait3A_32 : memref<1x125x80xi32, #tpu.memory_space<hbm>> -> memref<125x80xi32, #tpu.memory_space<hbm>>
    %dma_wait3A_34 = arith.constant 0 : i32
    %dma_wait3A_35 = arith.constant 0 : i32
    %dma_wait3A_36 = tpu.memref_slice %arg4[%add3A, %dma_wait3A_34, %dma_wait3A_35] : memref<32x125x80xi32, #tpu.memory_space<hbm>> -> memref<1x125x80xi32, #tpu.memory_space<hbm>>
    %dma_wait3A_37 = tpu.memref_squeeze %dma_wait3A_36 : memref<1x125x80xi32, #tpu.memory_space<hbm>> -> memref<125x80xi32, #tpu.memory_space<hbm>>
    tpu.wait_dma2 semaphore(%arg13 : memref<!tpu.dma_semaphore, #tpu.memory_space<semaphore_mem>>) src(%dma_wait3A_37 : memref<125x80xi32, #tpu.memory_space<hbm>>) dst(%arg8 : memref<125x80xi32, #tpu.memory_space<vmem>>)
    %dma_start3A_38 = arith.constant 0 : i32
    %dma_start3A_39 = arith.constant 0 : i32
    %dma_start3A_40 = arith.constant 0 : i32
    %dma_start3A_41 = tpu.memref_slice %arg9[%dma_start3A_38, %dma_start3A_39, %dma_start3A_40] : memref<2x80x128xf32, #tpu.memory_space<vmem>> -> memref<1x80x128xf32, #tpu.memory_space<vmem>>
    %dma_start3A_42 = tpu.memref_squeeze %dma_start3A_41 : memref<1x80x128xf32, #tpu.memory_space<vmem>> -> memref<80x128xf32, #tpu.memory_space<vmem>>
    %dma_start3A_43 = arith.constant 0 : i32
    %dma_start3A_44 = tpu.memref_slice %arg7[%dma_start3A_43] : memref<10000xi32, #tpu.memory_space<vmem>> -> memref<80xi32, #tpu.memory_space<vmem>>
    %dma_start3A_45 = arith.constant 0 : i32
    %dma_start3A_46 = arith.constant 0 : i32
    %dma_start3A_47 = tpu.memref_slice %arg2[%dma_start3A_45, %dma_start3A_46] : memref<10000x128xf32, #tpu.memory_space<hbm>> -> memref<10000x128xf32, #tpu.memory_space<hbm>>
    tpu.enqueue_indirect_dma source(%dma_start3A_47 : memref<10000x128xf32, #tpu.memory_space<hbm>>) target(%dma_start3A_42 : memref<80x128xf32, #tpu.memory_space<vmem>>) offsets(%dma_start3A_44 : memref<80xi32, #tpu.memory_space<vmem>>) semaphore(%arg10 : memref<!tpu.dma_semaphore, #tpu.memory_space<semaphore_mem>>)
    %dma_start3A_48 = arith.constant 1 : i32
    %dma_start3A_49 = arith.constant 0 : i32
    %dma_start3A_50 = arith.constant 0 : i32
    %dma_start3A_51 = tpu.memref_slice %arg9[%dma_start3A_48, %dma_start3A_49, %dma_start3A_50] : memref<2x80x128xf32, #tpu.memory_space<vmem>> -> memref<1x80x128xf32, #tpu.memory_space<vmem>>
    %dma_start3A_52 = tpu.memref_squeeze %dma_start3A_51 : memref<1x80x128xf32, #tpu.memory_space<vmem>> -> memref<80x128xf32, #tpu.memory_space<vmem>>
    %dma_start3A_53 = arith.constant 80 : i32
    %dma_start3A_54 = tpu.memref_slice %arg7[%dma_start3A_53] : memref<10000xi32, #tpu.memory_space<vmem>> -> memref<80xi32, #tpu.memory_space<vmem>>
    %dma_start3A_55 = arith.constant 0 : i32
    %dma_start3A_56 = arith.constant 0 : i32
    %dma_start3A_57 = tpu.memref_slice %arg2[%dma_start3A_55, %dma_start3A_56] : memref<10000x128xf32, #tpu.memory_space<hbm>> -> memref<10000x128xf32, #tpu.memory_space<hbm>>
    tpu.enqueue_indirect_dma source(%dma_start3A_57 : memref<10000x128xf32, #tpu.memory_space<hbm>>) target(%dma_start3A_52 : memref<80x128xf32, #tpu.memory_space<vmem>>) offsets(%dma_start3A_54 : memref<80xi32, #tpu.memory_space<vmem>>) semaphore(%arg11 : memref<!tpu.dma_semaphore, #tpu.memory_space<semaphore_mem>>)
    %barrier3A = arith.constant 0 : index
    tpu.barrier barrier_id(%barrier3A)
    %scan3A_58 = arith.constant 0 : i32
    %scan3A_59 = arith.constant 0 : i32
    %scan3A_60 = arith.constant 62 : i32
    %scan3A_61 = arith.addi %scan3A_59, %scan3A_60 : i32
    %scan3A_62 = arith.constant 1 : i32
    scf.for %scan3A_85 = %scan3A_59 to %scan3A_61 step %scan3A_62  : i32 {
      %mul3A_86 = arith.constant 2 : i32
      %mul3A_87 = arith.muli %scan3A_85, %mul3A_86 : i32
      %add3A_88 = arith.constant 0 : i32
      %add3A_89 = arith.addi %mul3A_87, %add3A_88 : i32
      %dma_wait3A_90 = arith.constant 0 : i32
      %dma_wait3A_91 = arith.constant 0 : i32
      %dma_wait3A_92 = arith.constant 0 : i32
      %dma_wait3A_93 = tpu.memref_slice %arg9[%dma_wait3A_90, %dma_wait3A_91, %dma_wait3A_92] : memref<2x80x128xf32, #tpu.memory_space<vmem>> -> memref<1x80x128xf32, #tpu.memory_space<vmem>>
      %dma_wait3A_94 = tpu.memref_squeeze %dma_wait3A_93 : memref<1x80x128xf32, #tpu.memory_space<vmem>> -> memref<80x128xf32, #tpu.memory_space<vmem>>
      %dma_wait3A_95 = arith.constant 0 : i32
      %dma_wait3A_96 = arith.constant 0 : i32
      %dma_wait3A_97 = tpu.memref_slice %arg2[%dma_wait3A_95, %dma_wait3A_96] : memref<10000x128xf32, #tpu.memory_space<hbm>> -> memref<80x128xf32, #tpu.memory_space<hbm>>
      %dma_wait3A_98 = arith.constant 0 : i32
      %dma_wait3A_99 = arith.constant 0 : i32
      %dma_wait3A_100 = tpu.memref_slice %arg9[%dma_wait3A_90, %dma_wait3A_98, %dma_wait3A_99] : memref<2x80x128xf32, #tpu.memory_space<vmem>> -> memref<1x80x128xf32, #tpu.memory_space<vmem>>
      %dma_wait3A_101 = tpu.memref_squeeze %dma_wait3A_100 : memref<1x80x128xf32, #tpu.memory_space<vmem>> -> memref<80x128xf32, #tpu.memory_space<vmem>>
      %dma_wait3A_102 = arith.constant 0 : i32
      %dma_wait3A_103 = arith.constant 0 : i32
      %dma_wait3A_104 = tpu.memref_slice %arg2[%dma_wait3A_102, %dma_wait3A_103] : memref<10000x128xf32, #tpu.memory_space<hbm>> -> memref<80x128xf32, #tpu.memory_space<hbm>>
      tpu.wait_dma2 semaphore(%arg10 : memref<!tpu.dma_semaphore, #tpu.memory_space<semaphore_mem>>) src(%dma_wait3A_104 : memref<80x128xf32, #tpu.memory_space<hbm>>) dst(%dma_wait3A_101 : memref<80x128xf32, #tpu.memory_space<vmem>>)
      %run_scoped3A_105 = arith.constant 0 : i32
      "tpu.region"() ({
        %run_scoped3A_137 = tpu.sem_alloc : memref<!tpu.dma_semaphore, #tpu.memory_space<semaphore_mem>>
        %dma_start3A_138 = arith.constant 0 : i32
        %dma_start3A_139 = arith.constant 0 : i32
        %dma_start3A_140 = tpu.memref_slice %arg9[%run_scoped3A_105, %dma_start3A_138, %dma_start3A_139] : memref<2x80x128xf32, #tpu.memory_space<vmem>> -> memref<1x80x128xf32, #tpu.memory_space<vmem>>
        %dma_start3A_141 = tpu.memref_squeeze %dma_start3A_140 : memref<1x80x128xf32, #tpu.memory_space<vmem>> -> memref<80x128xf32, #tpu.memory_space<vmem>>
        %dma_start3A_142 = arith.constant 0 : i32
        %dma_start3A_143 = tpu.memref_slice %arg8[%add3A_89, %dma_start3A_142] : memref<125x80xi32, #tpu.memory_space<vmem>> -> memref<1x80xi32, #tpu.memory_space<vmem>>
        %dma_start3A_144 = tpu.memref_squeeze %dma_start3A_143 : memref<1x80xi32, #tpu.memory_space<vmem>> -> memref<80xi32, #tpu.memory_space<vmem>>
        %dma_start3A_145 = arith.constant 0 : i32
        %dma_start3A_146 = arith.constant 0 : i32
        %dma_start3A_147 = tpu.memref_slice %arg6[%dma_start3A_145, %dma_start3A_146] : memref<10240x128xf32, #tpu.memory_space<vmem_shared>> -> memref<10240x128xf32, #tpu.memory_space<vmem_shared>>
        tpu.enqueue_indirect_dma source(%dma_start3A_141 : memref<80x128xf32, #tpu.memory_space<vmem>>) target(%dma_start3A_147 : memref<10240x128xf32, #tpu.memory_space<vmem_shared>>) offsets(%dma_start3A_144 : memref<80xi32, #tpu.memory_space<vmem>>) semaphore(%run_scoped3A_137 : memref<!tpu.dma_semaphore, #tpu.memory_space<semaphore_mem>>) {add = true}
        %dma_wait3A_148 = arith.constant 0 : i32
        %dma_wait3A_149 = arith.constant 0 : i32
        %dma_wait3A_150 = tpu.memref_slice %arg9[%run_scoped3A_105, %dma_wait3A_148, %dma_wait3A_149] : memref<2x80x128xf32, #tpu.memory_space<vmem>> -> memref<1x80x128xf32, #tpu.memory_space<vmem>>
        %dma_wait3A_151 = tpu.memref_squeeze %dma_wait3A_150 : memref<1x80x128xf32, #tpu.memory_space<vmem>> -> memref<80x128xf32, #tpu.memory_space<vmem>>
        %dma_wait3A_152 = arith.constant 0 : i32
        %dma_wait3A_153 = tpu.memref_slice %arg8[%add3A_89, %dma_wait3A_152] : memref<125x80xi32, #tpu.memory_space<vmem>> -> memref<1x80xi32, #tpu.memory_space<vmem>>
        %dma_wait3A_154 = tpu.memref_squeeze %dma_wait3A_153 : memref<1x80xi32, #tpu.memory_space<vmem>> -> memref<80xi32, #tpu.memory_space<vmem>>
        %dma_wait3A_155 = arith.constant 0 : i32
        %dma_wait3A_156 = arith.constant 0 : i32
        %dma_wait3A_157 = tpu.memref_slice %arg6[%dma_wait3A_155, %dma_wait3A_156] : memref<10240x128xf32, #tpu.memory_space<vmem_shared>> -> memref<10240x128xf32, #tpu.memory_space<vmem_shared>>
        tpu.wait_indirect_dma semaphore(%run_scoped3A_137 : memref<!tpu.dma_semaphore, #tpu.memory_space<semaphore_mem>>) src(%dma_wait3A_151 : memref<80x128xf32, #tpu.memory_space<vmem>>) dst(%dma_wait3A_157 : memref<10240x128xf32, #tpu.memory_space<vmem_shared>>)
        tpu.yield
      }) : () -> ()
      %add3A_106 = arith.constant 2 : i32
      %add3A_107 = arith.addi %add3A_89, %add3A_106 : i32
      %lt3A = arith.constant 125 : i32
      %lt3A_108 = arith.cmpi slt, %add3A_107, %lt3A : i32
      %convert_element_type3A = arith.extui %lt3A_108 : i1 to i32
      %cond3A = arith.constant 0 : i32
      %cond3A_109 = arith.cmpi ne, %convert_element_type3A, %cond3A : i32
      scf.if %cond3A_109 {
        %add3A_137 = arith.constant 2 : i32
        %add3A_138 = arith.addi %add3A_89, %add3A_137 : i32
        %mul3A_139 = arith.constant 80 : i32
        %mul3A_140 = arith.muli %add3A_138, %mul3A_139 : i32
        %dma_start3A_141 = arith.constant 0 : i32
        %dma_start3A_142 = arith.constant 0 : i32
        %dma_start3A_143 = arith.constant 0 : i32
        %dma_start3A_144 = tpu.memref_slice %arg9[%dma_start3A_141, %dma_start3A_142, %dma_start3A_143] : memref<2x80x128xf32, #tpu.memory_space<vmem>> -> memref<1x80x128xf32, #tpu.memory_space<vmem>>
        %dma_start3A_145 = tpu.memref_squeeze %dma_start3A_144 : memref<1x80x128xf32, #tpu.memory_space<vmem>> -> memref<80x128xf32, #tpu.memory_space<vmem>>
        %dma_start3A_146 = tpu.memref_slice %arg7[%mul3A_140] : memref<10000xi32, #tpu.memory_space<vmem>> -> memref<80xi32, #tpu.memory_space<vmem>>
        %dma_start3A_147 = arith.constant 0 : i32
        %dma_start3A_148 = arith.constant 0 : i32
        %dma_start3A_149 = tpu.memref_slice %arg2[%dma_start3A_147, %dma_start3A_148] : memref<10000x128xf32, #tpu.memory_space<hbm>> -> memref<10000x128xf32, #tpu.memory_space<hbm>>
        tpu.enqueue_indirect_dma source(%dma_start3A_149 : memref<10000x128xf32, #tpu.memory_space<hbm>>) target(%dma_start3A_145 : memref<80x128xf32, #tpu.memory_space<vmem>>) offsets(%dma_start3A_146 : memref<80xi32, #tpu.memory_space<vmem>>) semaphore(%arg10 : memref<!tpu.dma_semaphore, #tpu.memory_space<semaphore_mem>>)
      } else {
      }
      %mul3A_110 = arith.constant 2 : i32
      %mul3A_111 = arith.muli %scan3A_85, %mul3A_110 : i32
      %add3A_112 = arith.constant 1 : i32
      %add3A_113 = arith.addi %mul3A_111, %add3A_112 : i32
      %dma_wait3A_114 = arith.constant 1 : i32
      %dma_wait3A_115 = arith.constant 0 : i32
      %dma_wait3A_116 = arith.constant 0 : i32
      %dma_wait3A_117 = tpu.memref_slice %arg9[%dma_wait3A_114, %dma_wait3A_115, %dma_wait3A_116] : memref<2x80x128xf32, #tpu.memory_space<vmem>> -> memref<1x80x128xf32, #tpu.memory_space<vmem>>
      %dma_wait3A_118 = tpu.memref_squeeze %dma_wait3A_117 : memref<1x80x128xf32, #tpu.memory_space<vmem>> -> memref<80x128xf32, #tpu.memory_space<vmem>>
      %dma_wait3A_119 = arith.constant 0 : i32
      %dma_wait3A_120 = arith.constant 0 : i32
      %dma_wait3A_121 = tpu.memref_slice %arg2[%dma_wait3A_119, %dma_wait3A_120] : memref<10000x128xf32, #tpu.memory_space<hbm>> -> memref<80x128xf32, #tpu.memory_space<hbm>>
      %dma_wait3A_122 = arith.constant 0 : i32
      %dma_wait3A_123 = arith.constant 0 : i32
      %dma_wait3A_124 = tpu.memref_slice %arg9[%dma_wait3A_114, %dma_wait3A_122, %dma_wait3A_123] : memref<2x80x128xf32, #tpu.memory_space<vmem>> -> memref<1x80x128xf32, #tpu.memory_space<vmem>>
      %dma_wait3A_125 = tpu.memref_squeeze %dma_wait3A_124 : memref<1x80x128xf32, #tpu.memory_space<vmem>> -> memref<80x128xf32, #tpu.memory_space<vmem>>
      %dma_wait3A_126 = arith.constant 0 : i32
      %dma_wait3A_127 = arith.constant 0 : i32
      %dma_wait3A_128 = tpu.memref_slice %arg2[%dma_wait3A_126, %dma_wait3A_127] : memref<10000x128xf32, #tpu.memory_space<hbm>> -> memref<80x128xf32, #tpu.memory_space<hbm>>
      tpu.wait_dma2 semaphore(%arg11 : memref<!tpu.dma_semaphore, #tpu.memory_space<semaphore_mem>>) src(%dma_wait3A_128 : memref<80x128xf32, #tpu.memory_space<hbm>>) dst(%dma_wait3A_125 : memref<80x128xf32, #tpu.memory_space<vmem>>)
      %run_scoped3A_129 = arith.constant 1 : i32
      "tpu.region"() ({
        %run_scoped3A_137 = tpu.sem_alloc : memref<!tpu.dma_semaphore, #tpu.memory_space<semaphore_mem>>
        %dma_start3A_138 = arith.constant 0 : i32
        %dma_start3A_139 = arith.constant 0 : i32
        %dma_start3A_140 = tpu.memref_slice %arg9[%run_scoped3A_129, %dma_start3A_138, %dma_start3A_139] : memref<2x80x128xf32, #tpu.memory_space<vmem>> -> memref<1x80x128xf32, #tpu.memory_space<vmem>>
        %dma_start3A_141 = tpu.memref_squeeze %dma_start3A_140 : memref<1x80x128xf32, #tpu.memory_space<vmem>> -> memref<80x128xf32, #tpu.memory_space<vmem>>
        %dma_start3A_142 = arith.constant 0 : i32
        %dma_start3A_143 = tpu.memref_slice %arg8[%add3A_113, %dma_start3A_142] : memref<125x80xi32, #tpu.memory_space<vmem>> -> memref<1x80xi32, #tpu.memory_space<vmem>>
        %dma_start3A_144 = tpu.memref_squeeze %dma_start3A_143 : memref<1x80xi32, #tpu.memory_space<vmem>> -> memref<80xi32, #tpu.memory_space<vmem>>
        %dma_start3A_145 = arith.constant 0 : i32
        %dma_start3A_146 = arith.constant 0 : i32
        %dma_start3A_147 = tpu.memref_slice %arg6[%dma_start3A_145, %dma_start3A_146] : memref<10240x128xf32, #tpu.memory_space<vmem_shared>> -> memref<10240x128xf32, #tpu.memory_space<vmem_shared>>
        tpu.enqueue_indirect_dma source(%dma_start3A_141 : memref<80x128xf32, #tpu.memory_space<vmem>>) target(%dma_start3A_147 : memref<10240x128xf32, #tpu.memory_space<vmem_shared>>) offsets(%dma_start3A_144 : memref<80xi32, #tpu.memory_space<vmem>>) semaphore(%run_scoped3A_137 : memref<!tpu.dma_semaphore, #tpu.memory_space<semaphore_mem>>) {add = true}
        %dma_wait3A_148 = arith.constant 0 : i32
        %dma_wait3A_149 = arith.constant 0 : i32
        %dma_wait3A_150 = tpu.memref_slice %arg9[%run_scoped3A_129, %dma_wait3A_148, %dma_wait3A_149] : memref<2x80x128xf32, #tpu.memory_space<vmem>> -> memref<1x80x128xf32, #tpu.memory_space<vmem>>
        %dma_wait3A_151 = tpu.memref_squeeze %dma_wait3A_150 : memref<1x80x128xf32, #tpu.memory_space<vmem>> -> memref<80x128xf32, #tpu.memory_space<vmem>>
        %dma_wait3A_152 = arith.constant 0 : i32
        %dma_wait3A_153 = tpu.memref_slice %arg8[%add3A_113, %dma_wait3A_152] : memref<125x80xi32, #tpu.memory_space<vmem>> -> memref<1x80xi32, #tpu.memory_space<vmem>>
        %dma_wait3A_154 = tpu.memref_squeeze %dma_wait3A_153 : memref<1x80xi32, #tpu.memory_space<vmem>> -> memref<80xi32, #tpu.memory_space<vmem>>
        %dma_wait3A_155 = arith.constant 0 : i32
        %dma_wait3A_156 = arith.constant 0 : i32
        %dma_wait3A_157 = tpu.memref_slice %arg6[%dma_wait3A_155, %dma_wait3A_156] : memref<10240x128xf32, #tpu.memory_space<vmem_shared>> -> memref<10240x128xf32, #tpu.memory_space<vmem_shared>>
        tpu.wait_indirect_dma semaphore(%run_scoped3A_137 : memref<!tpu.dma_semaphore, #tpu.memory_space<semaphore_mem>>) src(%dma_wait3A_151 : memref<80x128xf32, #tpu.memory_space<vmem>>) dst(%dma_wait3A_157 : memref<10240x128xf32, #tpu.memory_space<vmem_shared>>)
        tpu.yield
      }) : () -> ()
      %add3A_130 = arith.constant 2 : i32
      %add3A_131 = arith.addi %add3A_113, %add3A_130 : i32
      %lt3A_132 = arith.constant 125 : i32
      %lt3A_133 = arith.cmpi slt, %add3A_131, %lt3A_132 : i32
      %convert_element_type3A_134 = arith.extui %lt3A_133 : i1 to i32
      %cond3A_135 = arith.constant 0 : i32
      %cond3A_136 = arith.cmpi ne, %convert_element_type3A_134, %cond3A_135 : i32
      scf.if %cond3A_136 {
        %add3A_137 = arith.constant 2 : i32
        %add3A_138 = arith.addi %add3A_113, %add3A_137 : i32
        %mul3A_139 = arith.constant 80 : i32
        %mul3A_140 = arith.muli %add3A_138, %mul3A_139 : i32
        %dma_start3A_141 = arith.constant 1 : i32
        %dma_start3A_142 = arith.constant 0 : i32
        %dma_start3A_143 = arith.constant 0 : i32
        %dma_start3A_144 = tpu.memref_slice %arg9[%dma_start3A_141, %dma_start3A_142, %dma_start3A_143] : memref<2x80x128xf32, #tpu.memory_space<vmem>> -> memref<1x80x128xf32, #tpu.memory_space<vmem>>
        %dma_start3A_145 = tpu.memref_squeeze %dma_start3A_144 : memref<1x80x128xf32, #tpu.memory_space<vmem>> -> memref<80x128xf32, #tpu.memory_space<vmem>>
        %dma_start3A_146 = tpu.memref_slice %arg7[%mul3A_140] : memref<10000xi32, #tpu.memory_space<vmem>> -> memref<80xi32, #tpu.memory_space<vmem>>
        %dma_start3A_147 = arith.constant 0 : i32
        %dma_start3A_148 = arith.constant 0 : i32
        %dma_start3A_149 = tpu.memref_slice %arg2[%dma_start3A_147, %dma_start3A_148] : memref<10000x128xf32, #tpu.memory_space<hbm>> -> memref<10000x128xf32, #tpu.memory_space<hbm>>
        tpu.enqueue_indirect_dma source(%dma_start3A_149 : memref<10000x128xf32, #tpu.memory_space<hbm>>) target(%dma_start3A_145 : memref<80x128xf32, #tpu.memory_space<vmem>>) offsets(%dma_start3A_146 : memref<80xi32, #tpu.memory_space<vmem>>) semaphore(%arg11 : memref<!tpu.dma_semaphore, #tpu.memory_space<semaphore_mem>>)
      } else {
      }
    }
    %scan3A_63 = arith.constant 62 : i32
    %dma_wait3A_64 = arith.constant 0 : i32
    %dma_wait3A_65 = arith.constant 0 : i32
    %dma_wait3A_66 = arith.constant 0 : i32
    %dma_wait3A_67 = tpu.memref_slice %arg9[%dma_wait3A_64, %dma_wait3A_65, %dma_wait3A_66] : memref<2x80x128xf32, #tpu.memory_space<vmem>> -> memref<1x80x128xf32, #tpu.memory_space<vmem>>
    %dma_wait3A_68 = tpu.memref_squeeze %dma_wait3A_67 : memref<1x80x128xf32, #tpu.memory_space<vmem>> -> memref<80x128xf32, #tpu.memory_space<vmem>>
    %dma_wait3A_69 = arith.constant 0 : i32
    %dma_wait3A_70 = arith.constant 0 : i32
    %dma_wait3A_71 = tpu.memref_slice %arg2[%dma_wait3A_69, %dma_wait3A_70] : memref<10000x128xf32, #tpu.memory_space<hbm>> -> memref<80x128xf32, #tpu.memory_space<hbm>>
    %dma_wait3A_72 = arith.constant 0 : i32
    %dma_wait3A_73 = arith.constant 0 : i32
    %dma_wait3A_74 = tpu.memref_slice %arg9[%dma_wait3A_64, %dma_wait3A_72, %dma_wait3A_73] : memref<2x80x128xf32, #tpu.memory_space<vmem>> -> memref<1x80x128xf32, #tpu.memory_space<vmem>>
    %dma_wait3A_75 = tpu.memref_squeeze %dma_wait3A_74 : memref<1x80x128xf32, #tpu.memory_space<vmem>> -> memref<80x128xf32, #tpu.memory_space<vmem>>
    %dma_wait3A_76 = arith.constant 0 : i32
    %dma_wait3A_77 = arith.constant 0 : i32
    %dma_wait3A_78 = tpu.memref_slice %arg2[%dma_wait3A_76, %dma_wait3A_77] : memref<10000x128xf32, #tpu.memory_space<hbm>> -> memref<80x128xf32, #tpu.memory_space<hbm>>
    tpu.wait_dma2 semaphore(%arg10 : memref<!tpu.dma_semaphore, #tpu.memory_space<semaphore_mem>>) src(%dma_wait3A_78 : memref<80x128xf32, #tpu.memory_space<hbm>>) dst(%dma_wait3A_75 : memref<80x128xf32, #tpu.memory_space<vmem>>)
    %run_scoped3A = arith.constant 0 : i32
    %run_scoped3A_79 = arith.constant 124 : i32
    "tpu.region"() ({
      %run_scoped3A_85 = tpu.sem_alloc : memref<!tpu.dma_semaphore, #tpu.memory_space<semaphore_mem>>
      %dma_start3A_86 = arith.constant 0 : i32
      %dma_start3A_87 = arith.constant 0 : i32
      %dma_start3A_88 = tpu.memref_slice %arg9[%run_scoped3A, %dma_start3A_86, %dma_start3A_87] : memref<2x80x128xf32, #tpu.memory_space<vmem>> -> memref<1x80x128xf32, #tpu.memory_space<vmem>>
      %dma_start3A_89 = tpu.memref_squeeze %dma_start3A_88 : memref<1x80x128xf32, #tpu.memory_space<vmem>> -> memref<80x128xf32, #tpu.memory_space<vmem>>
      %dma_start3A_90 = arith.constant 0 : i32
      %dma_start3A_91 = tpu.memref_slice %arg8[%run_scoped3A_79, %dma_start3A_90] : memref<125x80xi32, #tpu.memory_space<vmem>> -> memref<1x80xi32, #tpu.memory_space<vmem>>
      %dma_start3A_92 = tpu.memref_squeeze %dma_start3A_91 : memref<1x80xi32, #tpu.memory_space<vmem>> -> memref<80xi32, #tpu.memory_space<vmem>>
      %dma_start3A_93 = arith.constant 0 : i32
      %dma_start3A_94 = arith.constant 0 : i32
      %dma_start3A_95 = tpu.memref_slice %arg6[%dma_start3A_93, %dma_start3A_94] : memref<10240x128xf32, #tpu.memory_space<vmem_shared>> -> memref<10240x128xf32, #tpu.memory_space<vmem_shared>>
      tpu.enqueue_indirect_dma source(%dma_start3A_89 : memref<80x128xf32, #tpu.memory_space<vmem>>) target(%dma_start3A_95 : memref<10240x128xf32, #tpu.memory_space<vmem_shared>>) offsets(%dma_start3A_92 : memref<80xi32, #tpu.memory_space<vmem>>) semaphore(%run_scoped3A_85 : memref<!tpu.dma_semaphore, #tpu.memory_space<semaphore_mem>>) {add = true}
      %dma_wait3A_96 = arith.constant 0 : i32
      %dma_wait3A_97 = arith.constant 0 : i32
      %dma_wait3A_98 = tpu.memref_slice %arg9[%run_scoped3A, %dma_wait3A_96, %dma_wait3A_97] : memref<2x80x128xf32, #tpu.memory_space<vmem>> -> memref<1x80x128xf32, #tpu.memory_space<vmem>>
      %dma_wait3A_99 = tpu.memref_squeeze %dma_wait3A_98 : memref<1x80x128xf32, #tpu.memory_space<vmem>> -> memref<80x128xf32, #tpu.memory_space<vmem>>
      %dma_wait3A_100 = arith.constant 0 : i32
      %dma_wait3A_101 = tpu.memref_slice %arg8[%run_scoped3A_79, %dma_wait3A_100] : memref<125x80xi32, #tpu.memory_space<vmem>> -> memref<1x80xi32, #tpu.memory_space<vmem>>
      %dma_wait3A_102 = tpu.memref_squeeze %dma_wait3A_101 : memref<1x80xi32, #tpu.memory_space<vmem>> -> memref<80xi32, #tpu.memory_space<vmem>>
      %dma_wait3A_103 = arith.constant 0 : i32
      %dma_wait3A_104 = arith.constant 0 : i32
      %dma_wait3A_105 = tpu.memref_slice %arg6[%dma_wait3A_103, %dma_wait3A_104] : memref<10240x128xf32, #tpu.memory_space<vmem_shared>> -> memref<10240x128xf32, #tpu.memory_space<vmem_shared>>
      tpu.wait_indirect_dma semaphore(%run_scoped3A_85 : memref<!tpu.dma_semaphore, #tpu.memory_space<semaphore_mem>>) src(%dma_wait3A_99 : memref<80x128xf32, #tpu.memory_space<vmem>>) dst(%dma_wait3A_105 : memref<10240x128xf32, #tpu.memory_space<vmem_shared>>)
      tpu.yield
    }) : () -> ()
    %barrier3A_80 = arith.constant 0 : index
    tpu.barrier barrier_id(%barrier3A_80)
    %mul3A_81 = arith.constant 640 : i32
    %mul3A_82 = arith.muli %arg1, %mul3A_81 : i32
    %mul3A_83 = arith.constant 640 : i32
    %mul3A_84 = arith.muli %arg1, %mul3A_83 : i32
    "tpu.region"() ({
      %run_scoped3A_85 = tpu.sem_alloc : memref<!tpu.dma_semaphore, #tpu.memory_space<semaphore_mem>>
      %dma_start3A_86 = arith.constant 0 : i32
      %dma_start3A_87 = tpu.memref_slice %arg5[%arg0, %mul3A_84, %dma_start3A_86] : memref<2x10240x128xf32, #tpu.memory_space<hbm>> -> memref<1x640x128xf32, #tpu.memory_space<hbm>>
      %dma_start3A_88 = tpu.memref_squeeze %dma_start3A_87 : memref<1x640x128xf32, #tpu.memory_space<hbm>> -> memref<640x128xf32, #tpu.memory_space<hbm>>
      %dma_start3A_89 = arith.constant 0 : i32
      %dma_start3A_90 = tpu.memref_slice %arg6[%mul3A_82, %dma_start3A_89] : memref<10240x128xf32, #tpu.memory_space<vmem_shared>> -> memref<640x128xf32, #tpu.memory_space<vmem_shared>>
      tpu.enqueue_dma source(%dma_start3A_90 : memref<640x128xf32, #tpu.memory_space<vmem_shared>>) target(%dma_start3A_88 : memref<640x128xf32, #tpu.memory_space<hbm>>) target_semaphore(%run_scoped3A_85 : memref<!tpu.dma_semaphore, #tpu.memory_space<semaphore_mem>>)
      %dma_wait3A_91 = arith.constant 0 : i32
      %dma_wait3A_92 = tpu.memref_slice %arg5[%arg0, %mul3A_84, %dma_wait3A_91] : memref<2x10240x128xf32, #tpu.memory_space<hbm>> -> memref<1x640x128xf32, #tpu.memory_space<hbm>>
      %dma_wait3A_93 = tpu.memref_squeeze %dma_wait3A_92 : memref<1x640x128xf32, #tpu.memory_space<hbm>> -> memref<640x128xf32, #tpu.memory_space<hbm>>
      %dma_wait3A_94 = arith.constant 0 : i32
      %dma_wait3A_95 = tpu.memref_slice %arg6[%mul3A_82, %dma_wait3A_94] : memref<10240x128xf32, #tpu.memory_space<vmem_shared>> -> memref<640x128xf32, #tpu.memory_space<vmem_shared>>
      tpu.wait_dma2 semaphore(%run_scoped3A_85 : memref<!tpu.dma_semaphore, #tpu.memory_space<semaphore_mem>>) src(%dma_wait3A_95 : memref<640x128xf32, #tpu.memory_space<vmem_shared>>) dst(%dma_wait3A_93 : memref<640x128xf32, #tpu.memory_space<hbm>>)
      tpu.yield
    }) : () -> ()
    return
  }
}

module attributes {stable_mosaic.version = 14 : i64} {
  func.func @_mlp_body(%arg0: memref<10000x128xf32, #tpu.memory_space<hbm>>, %arg1: memref<2x10240x128xf32, #tpu.memory_space<hbm>>, %arg2: memref<1xf32, #tpu.memory_space<smem>>, %arg3: memref<128x128xf32, #tpu.memory_space<vmem>>, %arg4: memref<1x128xf32, #tpu.memory_space<vmem>>, %arg5: memref<1x128xf32, #tpu.memory_space<vmem>>, %arg6: memref<1x128xf32, #tpu.memory_space<vmem>>, %arg7: memref<128x128xf32, #tpu.memory_space<vmem>>, %arg8: memref<1x128xf32, #tpu.memory_space<vmem>>, %arg9: memref<1x128xf32, #tpu.memory_space<vmem>>, %arg10: memref<1x128xf32, #tpu.memory_space<vmem>>, %arg11: memref<10000x128xf32, #tpu.memory_space<hbm>>, %arg12: memref<10000x128xf32, #tpu.memory_space<vmem>>, %arg13: memref<2x2000x128xf32, #tpu.memory_space<vmem>>, %arg14: memref<2x2x2000x128xf32, #tpu.memory_space<vmem>>, %arg15: memref<2x2000x128xf32, #tpu.memory_space<vmem>>, %arg16: memref<2x!tpu.dma_semaphore, #tpu.memory_space<semaphore_mem>>, %arg17: memref<2x2x!tpu.dma_semaphore, #tpu.memory_space<semaphore_mem>>, %arg18: memref<2x!tpu.dma_semaphore, #tpu.memory_space<semaphore_mem>>) attributes {dimension_semantics = [], scalar_prefetch = 0 : i64, scratch_operands = 7 : i64, tpu.core_type = #tpu.core_type<tc>} {
    %get3A = arith.constant 0 : index
    %get3A_0 = memref.load %arg2[%get3A] : memref<1xf32, #tpu.memory_space<smem>>
    %get3A_1 = arith.constant 0 : index
    %get3A_2 = arith.constant 0 : index
    %get3A_3 = vector.load %arg3[%get3A_1, %get3A_2] : memref<128x128xf32, #tpu.memory_space<vmem>>, vector<128x128xf32>
    %convert_element_type3A = arith.truncf %get3A_3 : vector<128x128xf32> to vector<128x128xbf16>
    %get3A_4 = arith.constant 0 : index
    %get3A_5 = arith.constant 0 : index
    %get3A_6 = vector.load %arg7[%get3A_4, %get3A_5] : memref<128x128xf32, #tpu.memory_space<vmem>>, vector<128x128xf32>
    %convert_element_type3A_7 = arith.truncf %get3A_6 : vector<128x128xf32> to vector<128x128xbf16>
    %dma_start3A = arith.constant 0 : i32
    %dma_start3A_8 = arith.constant 0 : i32
    %dma_start3A_9 = tpu.memref_slice %arg16[%dma_start3A_8] : memref<2x!tpu.dma_semaphore, #tpu.memory_space<semaphore_mem>> -> memref<1x!tpu.dma_semaphore, #tpu.memory_space<semaphore_mem>>
    %dma_start3A_10 = tpu.memref_squeeze %dma_start3A_9 : memref<1x!tpu.dma_semaphore, #tpu.memory_space<semaphore_mem>> -> memref<!tpu.dma_semaphore, #tpu.memory_space<semaphore_mem>>
    %dma_start3A_11 = arith.constant 0 : i32
    %dma_start3A_12 = arith.constant 0 : i32
    %dma_start3A_13 = tpu.memref_slice %arg13[%dma_start3A, %dma_start3A_11, %dma_start3A_12] : memref<2x2000x128xf32, #tpu.memory_space<vmem>> -> memref<1x2000x128xf32, #tpu.memory_space<vmem>>
    %dma_start3A_14 = tpu.memref_squeeze %dma_start3A_13 : memref<1x2000x128xf32, #tpu.memory_space<vmem>> -> memref<2000x128xf32, #tpu.memory_space<vmem>>
    %dma_start3A_15 = arith.constant 0 : i32
    %dma_start3A_16 = arith.constant 0 : i32
    %dma_start3A_17 = tpu.memref_slice %arg0[%dma_start3A_15, %dma_start3A_16] : memref<10000x128xf32, #tpu.memory_space<hbm>> -> memref<2000x128xf32, #tpu.memory_space<hbm>>
    tpu.enqueue_dma source(%dma_start3A_17 : memref<2000x128xf32, #tpu.memory_space<hbm>>) target(%dma_start3A_14 : memref<2000x128xf32, #tpu.memory_space<vmem>>) target_semaphore(%dma_start3A_10 : memref<!tpu.dma_semaphore, #tpu.memory_space<semaphore_mem>>)
    %dma_start3A_18 = arith.constant 0 : i32
    %dma_start3A_19 = arith.constant 0 : i32
    %dma_start3A_20 = arith.constant 0 : i32
    %dma_start3A_21 = arith.constant 0 : i32
    %dma_start3A_22 = arith.constant 0 : i32
    %dma_start3A_23 = tpu.memref_slice %arg17[%dma_start3A_21, %dma_start3A_22] : memref<2x2x!tpu.dma_semaphore, #tpu.memory_space<semaphore_mem>> -> memref<1x1x!tpu.dma_semaphore, #tpu.memory_space<semaphore_mem>>
    %dma_start3A_24 = tpu.memref_squeeze %dma_start3A_23 : memref<1x1x!tpu.dma_semaphore, #tpu.memory_space<semaphore_mem>> -> memref<!tpu.dma_semaphore, #tpu.memory_space<semaphore_mem>>
    %dma_start3A_25 = arith.constant 0 : i32
    %dma_start3A_26 = arith.constant 0 : i32
    %dma_start3A_27 = tpu.memref_slice %arg14[%dma_start3A_19, %dma_start3A_20, %dma_start3A_25, %dma_start3A_26] : memref<2x2x2000x128xf32, #tpu.memory_space<vmem>> -> memref<1x1x2000x128xf32, #tpu.memory_space<vmem>>
    %dma_start3A_28 = tpu.memref_squeeze %dma_start3A_27 : memref<1x1x2000x128xf32, #tpu.memory_space<vmem>> -> memref<2000x128xf32, #tpu.memory_space<vmem>>
    %dma_start3A_29 = arith.constant 0 : i32
    %dma_start3A_30 = arith.constant 0 : i32
    %dma_start3A_31 = tpu.memref_slice %arg1[%dma_start3A_18, %dma_start3A_29, %dma_start3A_30] : memref<2x10240x128xf32, #tpu.memory_space<hbm>> -> memref<1x2000x128xf32, #tpu.memory_space<hbm>>
    %dma_start3A_32 = tpu.memref_squeeze %dma_start3A_31 : memref<1x2000x128xf32, #tpu.memory_space<hbm>> -> memref<2000x128xf32, #tpu.memory_space<hbm>>
    tpu.enqueue_dma source(%dma_start3A_32 : memref<2000x128xf32, #tpu.memory_space<hbm>>) target(%dma_start3A_28 : memref<2000x128xf32, #tpu.memory_space<vmem>>) target_semaphore(%dma_start3A_24 : memref<!tpu.dma_semaphore, #tpu.memory_space<semaphore_mem>>)
    %dma_start3A_33 = arith.constant 1 : i32
    %dma_start3A_34 = arith.constant 1 : i32
    %dma_start3A_35 = arith.constant 0 : i32
    %dma_start3A_36 = arith.constant 1 : i32
    %dma_start3A_37 = arith.constant 0 : i32
    %dma_start3A_38 = tpu.memref_slice %arg17[%dma_start3A_36, %dma_start3A_37] : memref<2x2x!tpu.dma_semaphore, #tpu.memory_space<semaphore_mem>> -> memref<1x1x!tpu.dma_semaphore, #tpu.memory_space<semaphore_mem>>
    %dma_start3A_39 = tpu.memref_squeeze %dma_start3A_38 : memref<1x1x!tpu.dma_semaphore, #tpu.memory_space<semaphore_mem>> -> memref<!tpu.dma_semaphore, #tpu.memory_space<semaphore_mem>>
    %dma_start3A_40 = arith.constant 0 : i32
    %dma_start3A_41 = arith.constant 0 : i32
    %dma_start3A_42 = tpu.memref_slice %arg14[%dma_start3A_34, %dma_start3A_35, %dma_start3A_40, %dma_start3A_41] : memref<2x2x2000x128xf32, #tpu.memory_space<vmem>> -> memref<1x1x2000x128xf32, #tpu.memory_space<vmem>>
    %dma_start3A_43 = tpu.memref_squeeze %dma_start3A_42 : memref<1x1x2000x128xf32, #tpu.memory_space<vmem>> -> memref<2000x128xf32, #tpu.memory_space<vmem>>
    %dma_start3A_44 = arith.constant 0 : i32
    %dma_start3A_45 = arith.constant 0 : i32
    %dma_start3A_46 = tpu.memref_slice %arg1[%dma_start3A_33, %dma_start3A_44, %dma_start3A_45] : memref<2x10240x128xf32, #tpu.memory_space<hbm>> -> memref<1x2000x128xf32, #tpu.memory_space<hbm>>
    %dma_start3A_47 = tpu.memref_squeeze %dma_start3A_46 : memref<1x2000x128xf32, #tpu.memory_space<hbm>> -> memref<2000x128xf32, #tpu.memory_space<hbm>>
    tpu.enqueue_dma source(%dma_start3A_47 : memref<2000x128xf32, #tpu.memory_space<hbm>>) target(%dma_start3A_43 : memref<2000x128xf32, #tpu.memory_space<vmem>>) target_semaphore(%dma_start3A_39 : memref<!tpu.dma_semaphore, #tpu.memory_space<semaphore_mem>>)
    %broadcast_in_dim3A = arith.constant 0.000000e+00 : f32
    %broadcast_in_dim3A_48 = vector.broadcast %broadcast_in_dim3A : f32 to vector<1x128xf32>
    %broadcast_in_dim3A_49 = arith.constant 0.000000e+00 : f32
    %broadcast_in_dim3A_50 = vector.broadcast %broadcast_in_dim3A_49 : f32 to vector<1x128xf32>
    %dma_start3A_51 = arith.constant 1 : i32
    %dma_start3A_52 = arith.constant 1 : i32
    %dma_start3A_53 = tpu.memref_slice %arg16[%dma_start3A_52] : memref<2x!tpu.dma_semaphore, #tpu.memory_space<semaphore_mem>> -> memref<1x!tpu.dma_semaphore, #tpu.memory_space<semaphore_mem>>
    %dma_start3A_54 = tpu.memref_squeeze %dma_start3A_53 : memref<1x!tpu.dma_semaphore, #tpu.memory_space<semaphore_mem>> -> memref<!tpu.dma_semaphore, #tpu.memory_space<semaphore_mem>>
    %dma_start3A_55 = arith.constant 0 : i32
    %dma_start3A_56 = arith.constant 0 : i32
    %dma_start3A_57 = tpu.memref_slice %arg13[%dma_start3A_51, %dma_start3A_55, %dma_start3A_56] : memref<2x2000x128xf32, #tpu.memory_space<vmem>> -> memref<1x2000x128xf32, #tpu.memory_space<vmem>>
    %dma_start3A_58 = tpu.memref_squeeze %dma_start3A_57 : memref<1x2000x128xf32, #tpu.memory_space<vmem>> -> memref<2000x128xf32, #tpu.memory_space<vmem>>
    %dma_start3A_59 = arith.constant 2000 : i32
    %dma_start3A_60 = arith.constant 0 : i32
    %dma_start3A_61 = tpu.memref_slice %arg0[%dma_start3A_59, %dma_start3A_60] : memref<10000x128xf32, #tpu.memory_space<hbm>> -> memref<2000x128xf32, #tpu.memory_space<hbm>>
    tpu.enqueue_dma source(%dma_start3A_61 : memref<2000x128xf32, #tpu.memory_space<hbm>>) target(%dma_start3A_58 : memref<2000x128xf32, #tpu.memory_space<vmem>>) target_semaphore(%dma_start3A_54 : memref<!tpu.dma_semaphore, #tpu.memory_space<semaphore_mem>>)
    %dma_start3A_62 = arith.constant 0 : i32
    %dma_start3A_63 = arith.constant 0 : i32
    %dma_start3A_64 = arith.constant 1 : i32
    %dma_start3A_65 = arith.constant 0 : i32
    %dma_start3A_66 = arith.constant 1 : i32
    %dma_start3A_67 = tpu.memref_slice %arg17[%dma_start3A_65, %dma_start3A_66] : memref<2x2x!tpu.dma_semaphore, #tpu.memory_space<semaphore_mem>> -> memref<1x1x!tpu.dma_semaphore, #tpu.memory_space<semaphore_mem>>
    %dma_start3A_68 = tpu.memref_squeeze %dma_start3A_67 : memref<1x1x!tpu.dma_semaphore, #tpu.memory_space<semaphore_mem>> -> memref<!tpu.dma_semaphore, #tpu.memory_space<semaphore_mem>>
    %dma_start3A_69 = arith.constant 0 : i32
    %dma_start3A_70 = arith.constant 0 : i32
    %dma_start3A_71 = tpu.memref_slice %arg14[%dma_start3A_63, %dma_start3A_64, %dma_start3A_69, %dma_start3A_70] : memref<2x2x2000x128xf32, #tpu.memory_space<vmem>> -> memref<1x1x2000x128xf32, #tpu.memory_space<vmem>>
    %dma_start3A_72 = tpu.memref_squeeze %dma_start3A_71 : memref<1x1x2000x128xf32, #tpu.memory_space<vmem>> -> memref<2000x128xf32, #tpu.memory_space<vmem>>
    %dma_start3A_73 = arith.constant 2000 : i32
    %dma_start3A_74 = arith.constant 0 : i32
    %dma_start3A_75 = tpu.memref_slice %arg1[%dma_start3A_62, %dma_start3A_73, %dma_start3A_74] : memref<2x10240x128xf32, #tpu.memory_space<hbm>> -> memref<1x2000x128xf32, #tpu.memory_space<hbm>>
    %dma_start3A_76 = tpu.memref_squeeze %dma_start3A_75 : memref<1x2000x128xf32, #tpu.memory_space<hbm>> -> memref<2000x128xf32, #tpu.memory_space<hbm>>
    tpu.enqueue_dma source(%dma_start3A_76 : memref<2000x128xf32, #tpu.memory_space<hbm>>) target(%dma_start3A_72 : memref<2000x128xf32, #tpu.memory_space<vmem>>) target_semaphore(%dma_start3A_68 : memref<!tpu.dma_semaphore, #tpu.memory_space<semaphore_mem>>)
    %dma_start3A_77 = arith.constant 1 : i32
    %dma_start3A_78 = arith.constant 1 : i32
    %dma_start3A_79 = arith.constant 1 : i32
    %dma_start3A_80 = arith.constant 1 : i32
    %dma_start3A_81 = arith.constant 1 : i32
    %dma_start3A_82 = tpu.memref_slice %arg17[%dma_start3A_80, %dma_start3A_81] : memref<2x2x!tpu.dma_semaphore, #tpu.memory_space<semaphore_mem>> -> memref<1x1x!tpu.dma_semaphore, #tpu.memory_space<semaphore_mem>>
    %dma_start3A_83 = tpu.memref_squeeze %dma_start3A_82 : memref<1x1x!tpu.dma_semaphore, #tpu.memory_space<semaphore_mem>> -> memref<!tpu.dma_semaphore, #tpu.memory_space<semaphore_mem>>
    %dma_start3A_84 = arith.constant 0 : i32
    %dma_start3A_85 = arith.constant 0 : i32
    %dma_start3A_86 = tpu.memref_slice %arg14[%dma_start3A_78, %dma_start3A_79, %dma_start3A_84, %dma_start3A_85] : memref<2x2x2000x128xf32, #tpu.memory_space<vmem>> -> memref<1x1x2000x128xf32, #tpu.memory_space<vmem>>
    %dma_start3A_87 = tpu.memref_squeeze %dma_start3A_86 : memref<1x1x2000x128xf32, #tpu.memory_space<vmem>> -> memref<2000x128xf32, #tpu.memory_space<vmem>>
    %dma_start3A_88 = arith.constant 2000 : i32
    %dma_start3A_89 = arith.constant 0 : i32
    %dma_start3A_90 = tpu.memref_slice %arg1[%dma_start3A_77, %dma_start3A_88, %dma_start3A_89] : memref<2x10240x128xf32, #tpu.memory_space<hbm>> -> memref<1x2000x128xf32, #tpu.memory_space<hbm>>
    %dma_start3A_91 = tpu.memref_squeeze %dma_start3A_90 : memref<1x2000x128xf32, #tpu.memory_space<hbm>> -> memref<2000x128xf32, #tpu.memory_space<hbm>>
    tpu.enqueue_dma source(%dma_start3A_91 : memref<2000x128xf32, #tpu.memory_space<hbm>>) target(%dma_start3A_87 : memref<2000x128xf32, #tpu.memory_space<vmem>>) target_semaphore(%dma_start3A_83 : memref<!tpu.dma_semaphore, #tpu.memory_space<semaphore_mem>>)
    %dma_wait3A = arith.constant 0 : i32
    %dma_wait3A_92 = arith.constant 0 : i32
    %dma_wait3A_93 = tpu.memref_slice %arg16[%dma_wait3A_92] : memref<2x!tpu.dma_semaphore, #tpu.memory_space<semaphore_mem>> -> memref<1x!tpu.dma_semaphore, #tpu.memory_space<semaphore_mem>>
    %dma_wait3A_94 = tpu.memref_squeeze %dma_wait3A_93 : memref<1x!tpu.dma_semaphore, #tpu.memory_space<semaphore_mem>> -> memref<!tpu.dma_semaphore, #tpu.memory_space<semaphore_mem>>
    %dma_wait3A_95 = arith.constant 0 : i32
    %dma_wait3A_96 = arith.constant 0 : i32
    %dma_wait3A_97 = tpu.memref_slice %arg13[%dma_wait3A, %dma_wait3A_95, %dma_wait3A_96] : memref<2x2000x128xf32, #tpu.memory_space<vmem>> -> memref<1x2000x128xf32, #tpu.memory_space<vmem>>
    %dma_wait3A_98 = tpu.memref_squeeze %dma_wait3A_97 : memref<1x2000x128xf32, #tpu.memory_space<vmem>> -> memref<2000x128xf32, #tpu.memory_space<vmem>>
    %dma_wait3A_99 = arith.constant 0 : i32
    %dma_wait3A_100 = arith.constant 0 : i32
    %dma_wait3A_101 = tpu.memref_slice %arg0[%dma_wait3A_99, %dma_wait3A_100] : memref<10000x128xf32, #tpu.memory_space<hbm>> -> memref<2000x128xf32, #tpu.memory_space<hbm>>
    tpu.wait_dma2 semaphore(%dma_wait3A_94 : memref<!tpu.dma_semaphore, #tpu.memory_space<semaphore_mem>>) src(%dma_wait3A_101 : memref<2000x128xf32, #tpu.memory_space<hbm>>) dst(%dma_wait3A_98 : memref<2000x128xf32, #tpu.memory_space<vmem>>)
    %dma_wait3A_102 = arith.constant 0 : i32
    %dma_wait3A_103 = arith.constant 0 : i32
    %dma_wait3A_104 = arith.constant 0 : i32
    %dma_wait3A_105 = arith.constant 0 : i32
    %dma_wait3A_106 = arith.constant 0 : i32
    %dma_wait3A_107 = tpu.memref_slice %arg17[%dma_wait3A_105, %dma_wait3A_106] : memref<2x2x!tpu.dma_semaphore, #tpu.memory_space<semaphore_mem>> -> memref<1x1x!tpu.dma_semaphore, #tpu.memory_space<semaphore_mem>>
    %dma_wait3A_108 = tpu.memref_squeeze %dma_wait3A_107 : memref<1x1x!tpu.dma_semaphore, #tpu.memory_space<semaphore_mem>> -> memref<!tpu.dma_semaphore, #tpu.memory_space<semaphore_mem>>
    %dma_wait3A_109 = arith.constant 0 : i32
    %dma_wait3A_110 = arith.constant 0 : i32
    %dma_wait3A_111 = tpu.memref_slice %arg14[%dma_wait3A_103, %dma_wait3A_104, %dma_wait3A_109, %dma_wait3A_110] : memref<2x2x2000x128xf32, #tpu.memory_space<vmem>> -> memref<1x1x2000x128xf32, #tpu.memory_space<vmem>>
    %dma_wait3A_112 = tpu.memref_squeeze %dma_wait3A_111 : memref<1x1x2000x128xf32, #tpu.memory_space<vmem>> -> memref<2000x128xf32, #tpu.memory_space<vmem>>
    %dma_wait3A_113 = arith.constant 0 : i32
    %dma_wait3A_114 = arith.constant 0 : i32
    %dma_wait3A_115 = tpu.memref_slice %arg1[%dma_wait3A_102, %dma_wait3A_113, %dma_wait3A_114] : memref<2x10240x128xf32, #tpu.memory_space<hbm>> -> memref<1x2000x128xf32, #tpu.memory_space<hbm>>
    %dma_wait3A_116 = tpu.memref_squeeze %dma_wait3A_115 : memref<1x2000x128xf32, #tpu.memory_space<hbm>> -> memref<2000x128xf32, #tpu.memory_space<hbm>>
    tpu.wait_dma2 semaphore(%dma_wait3A_108 : memref<!tpu.dma_semaphore, #tpu.memory_space<semaphore_mem>>) src(%dma_wait3A_116 : memref<2000x128xf32, #tpu.memory_space<hbm>>) dst(%dma_wait3A_112 : memref<2000x128xf32, #tpu.memory_space<vmem>>)
    %dma_wait3A_117 = arith.constant 1 : i32
    %dma_wait3A_118 = arith.constant 1 : i32
    %dma_wait3A_119 = arith.constant 0 : i32
    %dma_wait3A_120 = arith.constant 1 : i32
    %dma_wait3A_121 = arith.constant 0 : i32
    %dma_wait3A_122 = tpu.memref_slice %arg17[%dma_wait3A_120, %dma_wait3A_121] : memref<2x2x!tpu.dma_semaphore, #tpu.memory_space<semaphore_mem>> -> memref<1x1x!tpu.dma_semaphore, #tpu.memory_space<semaphore_mem>>
    %dma_wait3A_123 = tpu.memref_squeeze %dma_wait3A_122 : memref<1x1x!tpu.dma_semaphore, #tpu.memory_space<semaphore_mem>> -> memref<!tpu.dma_semaphore, #tpu.memory_space<semaphore_mem>>
    %dma_wait3A_124 = arith.constant 0 : i32
    %dma_wait3A_125 = arith.constant 0 : i32
    %dma_wait3A_126 = tpu.memref_slice %arg14[%dma_wait3A_118, %dma_wait3A_119, %dma_wait3A_124, %dma_wait3A_125] : memref<2x2x2000x128xf32, #tpu.memory_space<vmem>> -> memref<1x1x2000x128xf32, #tpu.memory_space<vmem>>
    %dma_wait3A_127 = tpu.memref_squeeze %dma_wait3A_126 : memref<1x1x2000x128xf32, #tpu.memory_space<vmem>> -> memref<2000x128xf32, #tpu.memory_space<vmem>>
    %dma_wait3A_128 = arith.constant 0 : i32
    %dma_wait3A_129 = arith.constant 0 : i32
    %dma_wait3A_130 = tpu.memref_slice %arg1[%dma_wait3A_117, %dma_wait3A_128, %dma_wait3A_129] : memref<2x10240x128xf32, #tpu.memory_space<hbm>> -> memref<1x2000x128xf32, #tpu.memory_space<hbm>>
    %dma_wait3A_131 = tpu.memref_squeeze %dma_wait3A_130 : memref<1x2000x128xf32, #tpu.memory_space<hbm>> -> memref<2000x128xf32, #tpu.memory_space<hbm>>
    tpu.wait_dma2 semaphore(%dma_wait3A_123 : memref<!tpu.dma_semaphore, #tpu.memory_space<semaphore_mem>>) src(%dma_wait3A_131 : memref<2000x128xf32, #tpu.memory_space<hbm>>) dst(%dma_wait3A_127 : memref<2000x128xf32, #tpu.memory_space<vmem>>)
    %add3A = arith.constant 1.000000e+00 : f32
    %add3A_132 = arith.addf %add3A, %get3A_0 : f32
    %get3A_133 = arith.constant 0 : index
    %get3A_134 = arith.constant 0 : index
    %get3A_135 = arith.constant 0 : index
    %get3A_136 = vector.load %arg13[%get3A_133, %get3A_134, %get3A_135] : memref<2x2000x128xf32, #tpu.memory_space<vmem>>, vector<1x2000x128xf32>
    %get3A_137 = vector.shape_cast %get3A_136 : vector<1x2000x128xf32> to vector<2000x128xf32>
    %mul3A = vector.broadcast %add3A_132 : f32 to vector<2000x128xf32>
    %mul3A_138 = arith.mulf %mul3A, %get3A_137 : vector<2000x128xf32>
    %get3A_139 = arith.constant 0 : index
    %get3A_140 = arith.constant 0 : index
    %get3A_141 = arith.constant 0 : index
    %get3A_142 = arith.constant 0 : index
    %get3A_143 = vector.load %arg14[%get3A_139, %get3A_140, %get3A_141, %get3A_142] : memref<2x2x2000x128xf32, #tpu.memory_space<vmem>>, vector<1x1x2000x128xf32>
    %get3A_144 = vector.shape_cast %get3A_143 : vector<1x1x2000x128xf32> to vector<2000x128xf32>
    %add3A_145 = arith.addf %mul3A_138, %get3A_144 : vector<2000x128xf32>
    %get3A_146 = arith.constant 1 : index
    %get3A_147 = arith.constant 0 : index
    %get3A_148 = arith.constant 0 : index
    %get3A_149 = arith.constant 0 : index
    %get3A_150 = vector.load %arg14[%get3A_146, %get3A_147, %get3A_148, %get3A_149] : memref<2x2x2000x128xf32, #tpu.memory_space<vmem>>, vector<1x1x2000x128xf32>
    %get3A_151 = vector.shape_cast %get3A_150 : vector<1x1x2000x128xf32> to vector<2000x128xf32>
    %add3A_152 = arith.addf %add3A_145, %get3A_151 : vector<2000x128xf32>
    %convert_element_type3A_153 = arith.truncf %add3A_152 : vector<2000x128xf32> to vector<2000x128xbf16>
    %dot_general3A = arith.constant dense<0.000000e+00> : vector<2000x128xf32>
    %dot_general3A_154 = tpu.matmul %convert_element_type3A_153, %convert_element_type3A, %dot_general3A {dimension_numbers = #tpu.dot_dimension_numbers<[1], [1], [0], [0], [0, 0, 1, 0], [], []>, transpose_lhs_hint = false} : vector<2000x128xbf16>, vector<128x128xbf16>, vector<2000x128xf32> -> vector<2000x128xf32>
    %get3A_155 = arith.constant 0 : index
    %get3A_156 = arith.constant 0 : index
    %get3A_157 = vector.load %arg4[%get3A_155, %get3A_156] : memref<1x128xf32, #tpu.memory_space<vmem>>, vector<1x128xf32>
    %add3A_158 = vector.broadcast %get3A_157 : vector<1x128xf32> to vector<2000x128xf32>
    %add3A_159 = arith.addf %dot_general3A_154, %add3A_158 : vector<2000x128xf32>
    %swap3A = arith.constant 0 : index
    %swap3A_160 = arith.constant 0 : index
    %swap3A_161 = vector.load %arg12[%swap3A, %swap3A_160] : memref<10000x128xf32, #tpu.memory_space<vmem>>, vector<2000x128xf32>
    tpu.vector_store %arg12[%swap3A, %swap3A_160], %add3A_159 {strides = array<i32>} : memref<10000x128xf32, #tpu.memory_space<vmem>>, vector<2000x128xf32>,
    %reduce_sum3A = arith.constant dense<0.000000e+00> : vector<128xf32>
    %reduce_sum3A_162 = vector.multi_reduction <add>, %add3A_159, %reduce_sum3A [0] : vector<2000x128xf32> to vector<128xf32>
    %broadcast_in_dim3A_163 = vector.shape_cast %reduce_sum3A_162 : vector<128xf32> to vector<1x128xf32>
    %add3A_164 = arith.addf %broadcast_in_dim3A_48, %broadcast_in_dim3A_163 : vector<1x128xf32>
    %mul3A_165 = arith.mulf %add3A_159, %add3A_159 : vector<2000x128xf32>
    %reduce_sum3A_166 = arith.constant dense<0.000000e+00> : vector<128xf32>
    %reduce_sum3A_167 = vector.multi_reduction <add>, %mul3A_165, %reduce_sum3A_166 [0] : vector<2000x128xf32> to vector<128xf32>
    %broadcast_in_dim3A_168 = vector.shape_cast %reduce_sum3A_167 : vector<128xf32> to vector<1x128xf32>
    %add3A_169 = arith.addf %broadcast_in_dim3A_50, %broadcast_in_dim3A_168 : vector<1x128xf32>
    %dma_start3A_170 = arith.constant 0 : i32
    %dma_start3A_171 = arith.constant 0 : i32
    %dma_start3A_172 = tpu.memref_slice %arg16[%dma_start3A_171] : memref<2x!tpu.dma_semaphore, #tpu.memory_space<semaphore_mem>> -> memref<1x!tpu.dma_semaphore, #tpu.memory_space<semaphore_mem>>
    %dma_start3A_173 = tpu.memref_squeeze %dma_start3A_172 : memref<1x!tpu.dma_semaphore, #tpu.memory_space<semaphore_mem>> -> memref<!tpu.dma_semaphore, #tpu.memory_space<semaphore_mem>>
    %dma_start3A_174 = arith.constant 0 : i32
    %dma_start3A_175 = arith.constant 0 : i32
    %dma_start3A_176 = tpu.memref_slice %arg13[%dma_start3A_170, %dma_start3A_174, %dma_start3A_175] : memref<2x2000x128xf32, #tpu.memory_space<vmem>> -> memref<1x2000x128xf32, #tpu.memory_space<vmem>>
    %dma_start3A_177 = tpu.memref_squeeze %dma_start3A_176 : memref<1x2000x128xf32, #tpu.memory_space<vmem>> -> memref<2000x128xf32, #tpu.memory_space<vmem>>
    %dma_start3A_178 = arith.constant 4000 : i32
    %dma_start3A_179 = arith.constant 0 : i32
    %dma_start3A_180 = tpu.memref_slice %arg0[%dma_start3A_178, %dma_start3A_179] : memref<10000x128xf32, #tpu.memory_space<hbm>> -> memref<2000x128xf32, #tpu.memory_space<hbm>>
    tpu.enqueue_dma source(%dma_start3A_180 : memref<2000x128xf32, #tpu.memory_space<hbm>>) target(%dma_start3A_177 : memref<2000x128xf32, #tpu.memory_space<vmem>>) target_semaphore(%dma_start3A_173 : memref<!tpu.dma_semaphore, #tpu.memory_space<semaphore_mem>>)
    %dma_start3A_181 = arith.constant 0 : i32
    %dma_start3A_182 = arith.constant 0 : i32
    %dma_start3A_183 = arith.constant 0 : i32
    %dma_start3A_184 = arith.constant 0 : i32
    %dma_start3A_185 = arith.constant 0 : i32
    %dma_start3A_186 = tpu.memref_slice %arg17[%dma_start3A_184, %dma_start3A_185] : memref<2x2x!tpu.dma_semaphore, #tpu.memory_space<semaphore_mem>> -> memref<1x1x!tpu.dma_semaphore, #tpu.memory_space<semaphore_mem>>
    %dma_start3A_187 = tpu.memref_squeeze %dma_start3A_186 : memref<1x1x!tpu.dma_semaphore, #tpu.memory_space<semaphore_mem>> -> memref<!tpu.dma_semaphore, #tpu.memory_space<semaphore_mem>>
    %dma_start3A_188 = arith.constant 0 : i32
    %dma_start3A_189 = arith.constant 0 : i32
    %dma_start3A_190 = tpu.memref_slice %arg14[%dma_start3A_182, %dma_start3A_183, %dma_start3A_188, %dma_start3A_189] : memref<2x2x2000x128xf32, #tpu.memory_space<vmem>> -> memref<1x1x2000x128xf32, #tpu.memory_space<vmem>>
    %dma_start3A_191 = tpu.memref_squeeze %dma_start3A_190 : memref<1x1x2000x128xf32, #tpu.memory_space<vmem>> -> memref<2000x128xf32, #tpu.memory_space<vmem>>
    %dma_start3A_192 = arith.constant 4000 : i32
    %dma_start3A_193 = arith.constant 0 : i32
    %dma_start3A_194 = tpu.memref_slice %arg1[%dma_start3A_181, %dma_start3A_192, %dma_start3A_193] : memref<2x10240x128xf32, #tpu.memory_space<hbm>> -> memref<1x2000x128xf32, #tpu.memory_space<hbm>>
    %dma_start3A_195 = tpu.memref_squeeze %dma_start3A_194 : memref<1x2000x128xf32, #tpu.memory_space<hbm>> -> memref<2000x128xf32, #tpu.memory_space<hbm>>
    tpu.enqueue_dma source(%dma_start3A_195 : memref<2000x128xf32, #tpu.memory_space<hbm>>) target(%dma_start3A_191 : memref<2000x128xf32, #tpu.memory_space<vmem>>) target_semaphore(%dma_start3A_187 : memref<!tpu.dma_semaphore, #tpu.memory_space<semaphore_mem>>)
    %dma_start3A_196 = arith.constant 1 : i32
    %dma_start3A_197 = arith.constant 1 : i32
    %dma_start3A_198 = arith.constant 0 : i32
    %dma_start3A_199 = arith.constant 1 : i32
    %dma_start3A_200 = arith.constant 0 : i32
    %dma_start3A_201 = tpu.memref_slice %arg17[%dma_start3A_199, %dma_start3A_200] : memref<2x2x!tpu.dma_semaphore, #tpu.memory_space<semaphore_mem>> -> memref<1x1x!tpu.dma_semaphore, #tpu.memory_space<semaphore_mem>>
    %dma_start3A_202 = tpu.memref_squeeze %dma_start3A_201 : memref<1x1x!tpu.dma_semaphore, #tpu.memory_space<semaphore_mem>> -> memref<!tpu.dma_semaphore, #tpu.memory_space<semaphore_mem>>
    %dma_start3A_203 = arith.constant 0 : i32
    %dma_start3A_204 = arith.constant 0 : i32
    %dma_start3A_205 = tpu.memref_slice %arg14[%dma_start3A_197, %dma_start3A_198, %dma_start3A_203, %dma_start3A_204] : memref<2x2x2000x128xf32, #tpu.memory_space<vmem>> -> memref<1x1x2000x128xf32, #tpu.memory_space<vmem>>
    %dma_start3A_206 = tpu.memref_squeeze %dma_start3A_205 : memref<1x1x2000x128xf32, #tpu.memory_space<vmem>> -> memref<2000x128xf32, #tpu.memory_space<vmem>>
    %dma_start3A_207 = arith.constant 4000 : i32
    %dma_start3A_208 = arith.constant 0 : i32
    %dma_start3A_209 = tpu.memref_slice %arg1[%dma_start3A_196, %dma_start3A_207, %dma_start3A_208] : memref<2x10240x128xf32, #tpu.memory_space<hbm>> -> memref<1x2000x128xf32, #tpu.memory_space<hbm>>
    %dma_start3A_210 = tpu.memref_squeeze %dma_start3A_209 : memref<1x2000x128xf32, #tpu.memory_space<hbm>> -> memref<2000x128xf32, #tpu.memory_space<hbm>>
    tpu.enqueue_dma source(%dma_start3A_210 : memref<2000x128xf32, #tpu.memory_space<hbm>>) target(%dma_start3A_206 : memref<2000x128xf32, #tpu.memory_space<vmem>>) target_semaphore(%dma_start3A_202 : memref<!tpu.dma_semaphore, #tpu.memory_space<semaphore_mem>>)
    %dma_wait3A_211 = arith.constant 1 : i32
    %dma_wait3A_212 = arith.constant 1 : i32
    %dma_wait3A_213 = tpu.memref_slice %arg16[%dma_wait3A_212] : memref<2x!tpu.dma_semaphore, #tpu.memory_space<semaphore_mem>> -> memref<1x!tpu.dma_semaphore, #tpu.memory_space<semaphore_mem>>
    %dma_wait3A_214 = tpu.memref_squeeze %dma_wait3A_213 : memref<1x!tpu.dma_semaphore, #tpu.memory_space<semaphore_mem>> -> memref<!tpu.dma_semaphore, #tpu.memory_space<semaphore_mem>>
    %dma_wait3A_215 = arith.constant 0 : i32
    %dma_wait3A_216 = arith.constant 0 : i32
    %dma_wait3A_217 = tpu.memref_slice %arg13[%dma_wait3A_211, %dma_wait3A_215, %dma_wait3A_216] : memref<2x2000x128xf32, #tpu.memory_space<vmem>> -> memref<1x2000x128xf32, #tpu.memory_space<vmem>>
    %dma_wait3A_218 = tpu.memref_squeeze %dma_wait3A_217 : memref<1x2000x128xf32, #tpu.memory_space<vmem>> -> memref<2000x128xf32, #tpu.memory_space<vmem>>
    %dma_wait3A_219 = arith.constant 2000 : i32
    %dma_wait3A_220 = arith.constant 0 : i32
    %dma_wait3A_221 = tpu.memref_slice %arg0[%dma_wait3A_219, %dma_wait3A_220] : memref<10000x128xf32, #tpu.memory_space<hbm>> -> memref<2000x128xf32, #tpu.memory_space<hbm>>
    tpu.wait_dma2 semaphore(%dma_wait3A_214 : memref<!tpu.dma_semaphore, #tpu.memory_space<semaphore_mem>>) src(%dma_wait3A_221 : memref<2000x128xf32, #tpu.memory_space<hbm>>) dst(%dma_wait3A_218 : memref<2000x128xf32, #tpu.memory_space<vmem>>)
    %dma_wait3A_222 = arith.constant 0 : i32
    %dma_wait3A_223 = arith.constant 0 : i32
    %dma_wait3A_224 = arith.constant 1 : i32
    %dma_wait3A_225 = arith.constant 0 : i32
    %dma_wait3A_226 = arith.constant 1 : i32
    %dma_wait3A_227 = tpu.memref_slice %arg17[%dma_wait3A_225, %dma_wait3A_226] : memref<2x2x!tpu.dma_semaphore, #tpu.memory_space<semaphore_mem>> -> memref<1x1x!tpu.dma_semaphore, #tpu.memory_space<semaphore_mem>>
    %dma_wait3A_228 = tpu.memref_squeeze %dma_wait3A_227 : memref<1x1x!tpu.dma_semaphore, #tpu.memory_space<semaphore_mem>> -> memref<!tpu.dma_semaphore, #tpu.memory_space<semaphore_mem>>
    %dma_wait3A_229 = arith.constant 0 : i32
    %dma_wait3A_230 = arith.constant 0 : i32
    %dma_wait3A_231 = tpu.memref_slice %arg14[%dma_wait3A_223, %dma_wait3A_224, %dma_wait3A_229, %dma_wait3A_230] : memref<2x2x2000x128xf32, #tpu.memory_space<vmem>> -> memref<1x1x2000x128xf32, #tpu.memory_space<vmem>>
    %dma_wait3A_232 = tpu.memref_squeeze %dma_wait3A_231 : memref<1x1x2000x128xf32, #tpu.memory_space<vmem>> -> memref<2000x128xf32, #tpu.memory_space<vmem>>
    %dma_wait3A_233 = arith.constant 2000 : i32
    %dma_wait3A_234 = arith.constant 0 : i32
    %dma_wait3A_235 = tpu.memref_slice %arg1[%dma_wait3A_222, %dma_wait3A_233, %dma_wait3A_234] : memref<2x10240x128xf32, #tpu.memory_space<hbm>> -> memref<1x2000x128xf32, #tpu.memory_space<hbm>>
    %dma_wait3A_236 = tpu.memref_squeeze %dma_wait3A_235 : memref<1x2000x128xf32, #tpu.memory_space<hbm>> -> memref<2000x128xf32, #tpu.memory_space<hbm>>
    tpu.wait_dma2 semaphore(%dma_wait3A_228 : memref<!tpu.dma_semaphore, #tpu.memory_space<semaphore_mem>>) src(%dma_wait3A_236 : memref<2000x128xf32, #tpu.memory_space<hbm>>) dst(%dma_wait3A_232 : memref<2000x128xf32, #tpu.memory_space<vmem>>)
    %dma_wait3A_237 = arith.constant 1 : i32
    %dma_wait3A_238 = arith.constant 1 : i32
    %dma_wait3A_239 = arith.constant 1 : i32
    %dma_wait3A_240 = arith.constant 1 : i32
    %dma_wait3A_241 = arith.constant 1 : i32
    %dma_wait3A_242 = tpu.memref_slice %arg17[%dma_wait3A_240, %dma_wait3A_241] : memref<2x2x!tpu.dma_semaphore, #tpu.memory_space<semaphore_mem>> -> memref<1x1x!tpu.dma_semaphore, #tpu.memory_space<semaphore_mem>>
    %dma_wait3A_243 = tpu.memref_squeeze %dma_wait3A_242 : memref<1x1x!tpu.dma_semaphore, #tpu.memory_space<semaphore_mem>> -> memref<!tpu.dma_semaphore, #tpu.memory_space<semaphore_mem>>
    %dma_wait3A_244 = arith.constant 0 : i32
    %dma_wait3A_245 = arith.constant 0 : i32
    %dma_wait3A_246 = tpu.memref_slice %arg14[%dma_wait3A_238, %dma_wait3A_239, %dma_wait3A_244, %dma_wait3A_245] : memref<2x2x2000x128xf32, #tpu.memory_space<vmem>> -> memref<1x1x2000x128xf32, #tpu.memory_space<vmem>>
    %dma_wait3A_247 = tpu.memref_squeeze %dma_wait3A_246 : memref<1x1x2000x128xf32, #tpu.memory_space<vmem>> -> memref<2000x128xf32, #tpu.memory_space<vmem>>
    %dma_wait3A_248 = arith.constant 2000 : i32
    %dma_wait3A_249 = arith.constant 0 : i32
    %dma_wait3A_250 = tpu.memref_slice %arg1[%dma_wait3A_237, %dma_wait3A_248, %dma_wait3A_249] : memref<2x10240x128xf32, #tpu.memory_space<hbm>> -> memref<1x2000x128xf32, #tpu.memory_space<hbm>>
    %dma_wait3A_251 = tpu.memref_squeeze %dma_wait3A_250 : memref<1x2000x128xf32, #tpu.memory_space<hbm>> -> memref<2000x128xf32, #tpu.memory_space<hbm>>
    tpu.wait_dma2 semaphore(%dma_wait3A_243 : memref<!tpu.dma_semaphore, #tpu.memory_space<semaphore_mem>>) src(%dma_wait3A_251 : memref<2000x128xf32, #tpu.memory_space<hbm>>) dst(%dma_wait3A_247 : memref<2000x128xf32, #tpu.memory_space<vmem>>)
    %add3A_252 = arith.constant 1.000000e+00 : f32
    %add3A_253 = arith.addf %add3A_252, %get3A_0 : f32
    %get3A_254 = arith.constant 1 : index
    %get3A_255 = arith.constant 0 : index
    %get3A_256 = arith.constant 0 : index
    %get3A_257 = vector.load %arg13[%get3A_254, %get3A_255, %get3A_256] : memref<2x2000x128xf32, #tpu.memory_space<vmem>>, vector<1x2000x128xf32>
    %get3A_258 = vector.shape_cast %get3A_257 : vector<1x2000x128xf32> to vector<2000x128xf32>
    %mul3A_259 = vector.broadcast %add3A_253 : f32 to vector<2000x128xf32>
    %mul3A_260 = arith.mulf %mul3A_259, %get3A_258 : vector<2000x128xf32>
    %get3A_261 = arith.constant 0 : index
    %get3A_262 = arith.constant 1 : index
    %get3A_263 = arith.constant 0 : index
    %get3A_264 = arith.constant 0 : index
    %get3A_265 = vector.load %arg14[%get3A_261, %get3A_262, %get3A_263, %get3A_264] : memref<2x2x2000x128xf32, #tpu.memory_space<vmem>>, vector<1x1x2000x128xf32>
    %get3A_266 = vector.shape_cast %get3A_265 : vector<1x1x2000x128xf32> to vector<2000x128xf32>
    %add3A_267 = arith.addf %mul3A_260, %get3A_266 : vector<2000x128xf32>
    %get3A_268 = arith.constant 1 : index
    %get3A_269 = arith.constant 1 : index
    %get3A_270 = arith.constant 0 : index
    %get3A_271 = arith.constant 0 : index
    %get3A_272 = vector.load %arg14[%get3A_268, %get3A_269, %get3A_270, %get3A_271] : memref<2x2x2000x128xf32, #tpu.memory_space<vmem>>, vector<1x1x2000x128xf32>
    %get3A_273 = vector.shape_cast %get3A_272 : vector<1x1x2000x128xf32> to vector<2000x128xf32>
    %add3A_274 = arith.addf %add3A_267, %get3A_273 : vector<2000x128xf32>
    %convert_element_type3A_275 = arith.truncf %add3A_274 : vector<2000x128xf32> to vector<2000x128xbf16>
    %dot_general3A_276 = arith.constant dense<0.000000e+00> : vector<2000x128xf32>
    %dot_general3A_277 = tpu.matmul %convert_element_type3A_275, %convert_element_type3A, %dot_general3A_276 {dimension_numbers = #tpu.dot_dimension_numbers<[1], [1], [0], [0], [0, 0, 1, 0], [], []>, transpose_lhs_hint = false} : vector<2000x128xbf16>, vector<128x128xbf16>, vector<2000x128xf32> -> vector<2000x128xf32>
    %get3A_278 = arith.constant 0 : index
    %get3A_279 = arith.constant 0 : index
    %get3A_280 = vector.load %arg4[%get3A_278, %get3A_279] : memref<1x128xf32, #tpu.memory_space<vmem>>, vector<1x128xf32>
    %add3A_281 = vector.broadcast %get3A_280 : vector<1x128xf32> to vector<2000x128xf32>
    %add3A_282 = arith.addf %dot_general3A_277, %add3A_281 : vector<2000x128xf32>
    %swap3A_283 = arith.constant 2000 : index
    %swap3A_284 = arith.constant 0 : index
    %swap3A_285 = vector.load %arg12[%swap3A_283, %swap3A_284] : memref<10000x128xf32, #tpu.memory_space<vmem>>, vector<2000x128xf32>
    tpu.vector_store %arg12[%swap3A_283, %swap3A_284], %add3A_282 {strides = array<i32>} : memref<10000x128xf32, #tpu.memory_space<vmem>>, vector<2000x128xf32>,
    %reduce_sum3A_286 = arith.constant dense<0.000000e+00> : vector<128xf32>
    %reduce_sum3A_287 = vector.multi_reduction <add>, %add3A_282, %reduce_sum3A_286 [0] : vector<2000x128xf32> to vector<128xf32>
    %broadcast_in_dim3A_288 = vector.shape_cast %reduce_sum3A_287 : vector<128xf32> to vector<1x128xf32>
    %add3A_289 = arith.addf %add3A_164, %broadcast_in_dim3A_288 : vector<1x128xf32>
    %mul3A_290 = arith.mulf %add3A_282, %add3A_282 : vector<2000x128xf32>
    %reduce_sum3A_291 = arith.constant dense<0.000000e+00> : vector<128xf32>
    %reduce_sum3A_292 = vector.multi_reduction <add>, %mul3A_290, %reduce_sum3A_291 [0] : vector<2000x128xf32> to vector<128xf32>
    %broadcast_in_dim3A_293 = vector.shape_cast %reduce_sum3A_292 : vector<128xf32> to vector<1x128xf32>
    %add3A_294 = arith.addf %add3A_169, %broadcast_in_dim3A_293 : vector<1x128xf32>
    %dma_start3A_295 = arith.constant 1 : i32
    %dma_start3A_296 = arith.constant 1 : i32
    %dma_start3A_297 = tpu.memref_slice %arg16[%dma_start3A_296] : memref<2x!tpu.dma_semaphore, #tpu.memory_space<semaphore_mem>> -> memref<1x!tpu.dma_semaphore, #tpu.memory_space<semaphore_mem>>
    %dma_start3A_298 = tpu.memref_squeeze %dma_start3A_297 : memref<1x!tpu.dma_semaphore, #tpu.memory_space<semaphore_mem>> -> memref<!tpu.dma_semaphore, #tpu.memory_space<semaphore_mem>>
    %dma_start3A_299 = arith.constant 0 : i32
    %dma_start3A_300 = arith.constant 0 : i32
    %dma_start3A_301 = tpu.memref_slice %arg13[%dma_start3A_295, %dma_start3A_299, %dma_start3A_300] : memref<2x2000x128xf32, #tpu.memory_space<vmem>> -> memref<1x2000x128xf32, #tpu.memory_space<vmem>>
    %dma_start3A_302 = tpu.memref_squeeze %dma_start3A_301 : memref<1x2000x128xf32, #tpu.memory_space<vmem>> -> memref<2000x128xf32, #tpu.memory_space<vmem>>
    %dma_start3A_303 = arith.constant 6000 : i32
    %dma_start3A_304 = arith.constant 0 : i32
    %dma_start3A_305 = tpu.memref_slice %arg0[%dma_start3A_303, %dma_start3A_304] : memref<10000x128xf32, #tpu.memory_space<hbm>> -> memref<2000x128xf32, #tpu.memory_space<hbm>>
    tpu.enqueue_dma source(%dma_start3A_305 : memref<2000x128xf32, #tpu.memory_space<hbm>>) target(%dma_start3A_302 : memref<2000x128xf32, #tpu.memory_space<vmem>>) target_semaphore(%dma_start3A_298 : memref<!tpu.dma_semaphore, #tpu.memory_space<semaphore_mem>>)
    %dma_start3A_306 = arith.constant 0 : i32
    %dma_start3A_307 = arith.constant 0 : i32
    %dma_start3A_308 = arith.constant 1 : i32
    %dma_start3A_309 = arith.constant 0 : i32
    %dma_start3A_310 = arith.constant 1 : i32
    %dma_start3A_311 = tpu.memref_slice %arg17[%dma_start3A_309, %dma_start3A_310] : memref<2x2x!tpu.dma_semaphore, #tpu.memory_space<semaphore_mem>> -> memref<1x1x!tpu.dma_semaphore, #tpu.memory_space<semaphore_mem>>
    %dma_start3A_312 = tpu.memref_squeeze %dma_start3A_311 : memref<1x1x!tpu.dma_semaphore, #tpu.memory_space<semaphore_mem>> -> memref<!tpu.dma_semaphore, #tpu.memory_space<semaphore_mem>>
    %dma_start3A_313 = arith.constant 0 : i32
    %dma_start3A_314 = arith.constant 0 : i32
    %dma_start3A_315 = tpu.memref_slice %arg14[%dma_start3A_307, %dma_start3A_308, %dma_start3A_313, %dma_start3A_314] : memref<2x2x2000x128xf32, #tpu.memory_space<vmem>> -> memref<1x1x2000x128xf32, #tpu.memory_space<vmem>>
    %dma_start3A_316 = tpu.memref_squeeze %dma_start3A_315 : memref<1x1x2000x128xf32, #tpu.memory_space<vmem>> -> memref<2000x128xf32, #tpu.memory_space<vmem>>
    %dma_start3A_317 = arith.constant 6000 : i32
    %dma_start3A_318 = arith.constant 0 : i32
    %dma_start3A_319 = tpu.memref_slice %arg1[%dma_start3A_306, %dma_start3A_317, %dma_start3A_318] : memref<2x10240x128xf32, #tpu.memory_space<hbm>> -> memref<1x2000x128xf32, #tpu.memory_space<hbm>>
    %dma_start3A_320 = tpu.memref_squeeze %dma_start3A_319 : memref<1x2000x128xf32, #tpu.memory_space<hbm>> -> memref<2000x128xf32, #tpu.memory_space<hbm>>
    tpu.enqueue_dma source(%dma_start3A_320 : memref<2000x128xf32, #tpu.memory_space<hbm>>) target(%dma_start3A_316 : memref<2000x128xf32, #tpu.memory_space<vmem>>) target_semaphore(%dma_start3A_312 : memref<!tpu.dma_semaphore, #tpu.memory_space<semaphore_mem>>)
    %dma_start3A_321 = arith.constant 1 : i32
    %dma_start3A_322 = arith.constant 1 : i32
    %dma_start3A_323 = arith.constant 1 : i32
    %dma_start3A_324 = arith.constant 1 : i32
    %dma_start3A_325 = arith.constant 1 : i32
    %dma_start3A_326 = tpu.memref_slice %arg17[%dma_start3A_324, %dma_start3A_325] : memref<2x2x!tpu.dma_semaphore, #tpu.memory_space<semaphore_mem>> -> memref<1x1x!tpu.dma_semaphore, #tpu.memory_space<semaphore_mem>>
    %dma_start3A_327 = tpu.memref_squeeze %dma_start3A_326 : memref<1x1x!tpu.dma_semaphore, #tpu.memory_space<semaphore_mem>> -> memref<!tpu.dma_semaphore, #tpu.memory_space<semaphore_mem>>
    %dma_start3A_328 = arith.constant 0 : i32
    %dma_start3A_329 = arith.constant 0 : i32
    %dma_start3A_330 = tpu.memref_slice %arg14[%dma_start3A_322, %dma_start3A_323, %dma_start3A_328, %dma_start3A_329] : memref<2x2x2000x128xf32, #tpu.memory_space<vmem>> -> memref<1x1x2000x128xf32, #tpu.memory_space<vmem>>
    %dma_start3A_331 = tpu.memref_squeeze %dma_start3A_330 : memref<1x1x2000x128xf32, #tpu.memory_space<vmem>> -> memref<2000x128xf32, #tpu.memory_space<vmem>>
    %dma_start3A_332 = arith.constant 6000 : i32
    %dma_start3A_333 = arith.constant 0 : i32
    %dma_start3A_334 = tpu.memref_slice %arg1[%dma_start3A_321, %dma_start3A_332, %dma_start3A_333] : memref<2x10240x128xf32, #tpu.memory_space<hbm>> -> memref<1x2000x128xf32, #tpu.memory_space<hbm>>
    %dma_start3A_335 = tpu.memref_squeeze %dma_start3A_334 : memref<1x2000x128xf32, #tpu.memory_space<hbm>> -> memref<2000x128xf32, #tpu.memory_space<hbm>>
    tpu.enqueue_dma source(%dma_start3A_335 : memref<2000x128xf32, #tpu.memory_space<hbm>>) target(%dma_start3A_331 : memref<2000x128xf32, #tpu.memory_space<vmem>>) target_semaphore(%dma_start3A_327 : memref<!tpu.dma_semaphore, #tpu.memory_space<semaphore_mem>>)
    %dma_wait3A_336 = arith.constant 0 : i32
    %dma_wait3A_337 = arith.constant 0 : i32
    %dma_wait3A_338 = tpu.memref_slice %arg16[%dma_wait3A_337] : memref<2x!tpu.dma_semaphore, #tpu.memory_space<semaphore_mem>> -> memref<1x!tpu.dma_semaphore, #tpu.memory_space<semaphore_mem>>
    %dma_wait3A_339 = tpu.memref_squeeze %dma_wait3A_338 : memref<1x!tpu.dma_semaphore, #tpu.memory_space<semaphore_mem>> -> memref<!tpu.dma_semaphore, #tpu.memory_space<semaphore_mem>>
    %dma_wait3A_340 = arith.constant 0 : i32
    %dma_wait3A_341 = arith.constant 0 : i32
    %dma_wait3A_342 = tpu.memref_slice %arg13[%dma_wait3A_336, %dma_wait3A_340, %dma_wait3A_341] : memref<2x2000x128xf32, #tpu.memory_space<vmem>> -> memref<1x2000x128xf32, #tpu.memory_space<vmem>>
    %dma_wait3A_343 = tpu.memref_squeeze %dma_wait3A_342 : memref<1x2000x128xf32, #tpu.memory_space<vmem>> -> memref<2000x128xf32, #tpu.memory_space<vmem>>
    %dma_wait3A_344 = arith.constant 4000 : i32
    %dma_wait3A_345 = arith.constant 0 : i32
    %dma_wait3A_346 = tpu.memref_slice %arg0[%dma_wait3A_344, %dma_wait3A_345] : memref<10000x128xf32, #tpu.memory_space<hbm>> -> memref<2000x128xf32, #tpu.memory_space<hbm>>
    tpu.wait_dma2 semaphore(%dma_wait3A_339 : memref<!tpu.dma_semaphore, #tpu.memory_space<semaphore_mem>>) src(%dma_wait3A_346 : memref<2000x128xf32, #tpu.memory_space<hbm>>) dst(%dma_wait3A_343 : memref<2000x128xf32, #tpu.memory_space<vmem>>)
    %dma_wait3A_347 = arith.constant 0 : i32
    %dma_wait3A_348 = arith.constant 0 : i32
    %dma_wait3A_349 = arith.constant 0 : i32
    %dma_wait3A_350 = arith.constant 0 : i32
    %dma_wait3A_351 = arith.constant 0 : i32
    %dma_wait3A_352 = tpu.memref_slice %arg17[%dma_wait3A_350, %dma_wait3A_351] : memref<2x2x!tpu.dma_semaphore, #tpu.memory_space<semaphore_mem>> -> memref<1x1x!tpu.dma_semaphore, #tpu.memory_space<semaphore_mem>>
    %dma_wait3A_353 = tpu.memref_squeeze %dma_wait3A_352 : memref<1x1x!tpu.dma_semaphore, #tpu.memory_space<semaphore_mem>> -> memref<!tpu.dma_semaphore, #tpu.memory_space<semaphore_mem>>
    %dma_wait3A_354 = arith.constant 0 : i32
    %dma_wait3A_355 = arith.constant 0 : i32
    %dma_wait3A_356 = tpu.memref_slice %arg14[%dma_wait3A_348, %dma_wait3A_349, %dma_wait3A_354, %dma_wait3A_355] : memref<2x2x2000x128xf32, #tpu.memory_space<vmem>> -> memref<1x1x2000x128xf32, #tpu.memory_space<vmem>>
    %dma_wait3A_357 = tpu.memref_squeeze %dma_wait3A_356 : memref<1x1x2000x128xf32, #tpu.memory_space<vmem>> -> memref<2000x128xf32, #tpu.memory_space<vmem>>
    %dma_wait3A_358 = arith.constant 4000 : i32
    %dma_wait3A_359 = arith.constant 0 : i32
    %dma_wait3A_360 = tpu.memref_slice %arg1[%dma_wait3A_347, %dma_wait3A_358, %dma_wait3A_359] : memref<2x10240x128xf32, #tpu.memory_space<hbm>> -> memref<1x2000x128xf32, #tpu.memory_space<hbm>>
    %dma_wait3A_361 = tpu.memref_squeeze %dma_wait3A_360 : memref<1x2000x128xf32, #tpu.memory_space<hbm>> -> memref<2000x128xf32, #tpu.memory_space<hbm>>
    tpu.wait_dma2 semaphore(%dma_wait3A_353 : memref<!tpu.dma_semaphore, #tpu.memory_space<semaphore_mem>>) src(%dma_wait3A_361 : memref<2000x128xf32, #tpu.memory_space<hbm>>) dst(%dma_wait3A_357 : memref<2000x128xf32, #tpu.memory_space<vmem>>)
    %dma_wait3A_362 = arith.constant 1 : i32
    %dma_wait3A_363 = arith.constant 1 : i32
    %dma_wait3A_364 = arith.constant 0 : i32
    %dma_wait3A_365 = arith.constant 1 : i32
    %dma_wait3A_366 = arith.constant 0 : i32
    %dma_wait3A_367 = tpu.memref_slice %arg17[%dma_wait3A_365, %dma_wait3A_366] : memref<2x2x!tpu.dma_semaphore, #tpu.memory_space<semaphore_mem>> -> memref<1x1x!tpu.dma_semaphore, #tpu.memory_space<semaphore_mem>>
    %dma_wait3A_368 = tpu.memref_squeeze %dma_wait3A_367 : memref<1x1x!tpu.dma_semaphore, #tpu.memory_space<semaphore_mem>> -> memref<!tpu.dma_semaphore, #tpu.memory_space<semaphore_mem>>
    %dma_wait3A_369 = arith.constant 0 : i32
    %dma_wait3A_370 = arith.constant 0 : i32
    %dma_wait3A_371 = tpu.memref_slice %arg14[%dma_wait3A_363, %dma_wait3A_364, %dma_wait3A_369, %dma_wait3A_370] : memref<2x2x2000x128xf32, #tpu.memory_space<vmem>> -> memref<1x1x2000x128xf32, #tpu.memory_space<vmem>>
    %dma_wait3A_372 = tpu.memref_squeeze %dma_wait3A_371 : memref<1x1x2000x128xf32, #tpu.memory_space<vmem>> -> memref<2000x128xf32, #tpu.memory_space<vmem>>
    %dma_wait3A_373 = arith.constant 4000 : i32
    %dma_wait3A_374 = arith.constant 0 : i32
    %dma_wait3A_375 = tpu.memref_slice %arg1[%dma_wait3A_362, %dma_wait3A_373, %dma_wait3A_374] : memref<2x10240x128xf32, #tpu.memory_space<hbm>> -> memref<1x2000x128xf32, #tpu.memory_space<hbm>>
    %dma_wait3A_376 = tpu.memref_squeeze %dma_wait3A_375 : memref<1x2000x128xf32, #tpu.memory_space<hbm>> -> memref<2000x128xf32, #tpu.memory_space<hbm>>
    tpu.wait_dma2 semaphore(%dma_wait3A_368 : memref<!tpu.dma_semaphore, #tpu.memory_space<semaphore_mem>>) src(%dma_wait3A_376 : memref<2000x128xf32, #tpu.memory_space<hbm>>) dst(%dma_wait3A_372 : memref<2000x128xf32, #tpu.memory_space<vmem>>)
    %add3A_377 = arith.constant 1.000000e+00 : f32
    %add3A_378 = arith.addf %add3A_377, %get3A_0 : f32
    %get3A_379 = arith.constant 0 : index
    %get3A_380 = arith.constant 0 : index
    %get3A_381 = arith.constant 0 : index
    %get3A_382 = vector.load %arg13[%get3A_379, %get3A_380, %get3A_381] : memref<2x2000x128xf32, #tpu.memory_space<vmem>>, vector<1x2000x128xf32>
    %get3A_383 = vector.shape_cast %get3A_382 : vector<1x2000x128xf32> to vector<2000x128xf32>
    %mul3A_384 = vector.broadcast %add3A_378 : f32 to vector<2000x128xf32>
    %mul3A_385 = arith.mulf %mul3A_384, %get3A_383 : vector<2000x128xf32>
    %get3A_386 = arith.constant 0 : index
    %get3A_387 = arith.constant 0 : index
    %get3A_388 = arith.constant 0 : index
    %get3A_389 = arith.constant 0 : index
    %get3A_390 = vector.load %arg14[%get3A_386, %get3A_387, %get3A_388, %get3A_389] : memref<2x2x2000x128xf32, #tpu.memory_space<vmem>>, vector<1x1x2000x128xf32>
    %get3A_391 = vector.shape_cast %get3A_390 : vector<1x1x2000x128xf32> to vector<2000x128xf32>
    %add3A_392 = arith.addf %mul3A_385, %get3A_391 : vector<2000x128xf32>
    %get3A_393 = arith.constant 1 : index
    %get3A_394 = arith.constant 0 : index
    %get3A_395 = arith.constant 0 : index
    %get3A_396 = arith.constant 0 : index
    %get3A_397 = vector.load %arg14[%get3A_393, %get3A_394, %get3A_395, %get3A_396] : memref<2x2x2000x128xf32, #tpu.memory_space<vmem>>, vector<1x1x2000x128xf32>
    %get3A_398 = vector.shape_cast %get3A_397 : vector<1x1x2000x128xf32> to vector<2000x128xf32>
    %add3A_399 = arith.addf %add3A_392, %get3A_398 : vector<2000x128xf32>
    %convert_element_type3A_400 = arith.truncf %add3A_399 : vector<2000x128xf32> to vector<2000x128xbf16>
    %dot_general3A_401 = arith.constant dense<0.000000e+00> : vector<2000x128xf32>
    %dot_general3A_402 = tpu.matmul %convert_element_type3A_400, %convert_element_type3A, %dot_general3A_401 {dimension_numbers = #tpu.dot_dimension_numbers<[1], [1], [0], [0], [0, 0, 1, 0], [], []>, transpose_lhs_hint = false} : vector<2000x128xbf16>, vector<128x128xbf16>, vector<2000x128xf32> -> vector<2000x128xf32>
    %get3A_403 = arith.constant 0 : index
    %get3A_404 = arith.constant 0 : index
    %get3A_405 = vector.load %arg4[%get3A_403, %get3A_404] : memref<1x128xf32, #tpu.memory_space<vmem>>, vector<1x128xf32>
    %add3A_406 = vector.broadcast %get3A_405 : vector<1x128xf32> to vector<2000x128xf32>
    %add3A_407 = arith.addf %dot_general3A_402, %add3A_406 : vector<2000x128xf32>
    %swap3A_408 = arith.constant 4000 : index
    %swap3A_409 = arith.constant 0 : index
    %swap3A_410 = vector.load %arg12[%swap3A_408, %swap3A_409] : memref<10000x128xf32, #tpu.memory_space<vmem>>, vector<2000x128xf32>
    tpu.vector_store %arg12[%swap3A_408, %swap3A_409], %add3A_407 {strides = array<i32>} : memref<10000x128xf32, #tpu.memory_space<vmem>>, vector<2000x128xf32>,
    %reduce_sum3A_411 = arith.constant dense<0.000000e+00> : vector<128xf32>
    %reduce_sum3A_412 = vector.multi_reduction <add>, %add3A_407, %reduce_sum3A_411 [0] : vector<2000x128xf32> to vector<128xf32>
    %broadcast_in_dim3A_413 = vector.shape_cast %reduce_sum3A_412 : vector<128xf32> to vector<1x128xf32>
    %add3A_414 = arith.addf %add3A_289, %broadcast_in_dim3A_413 : vector<1x128xf32>
    %mul3A_415 = arith.mulf %add3A_407, %add3A_407 : vector<2000x128xf32>
    %reduce_sum3A_416 = arith.constant dense<0.000000e+00> : vector<128xf32>
    %reduce_sum3A_417 = vector.multi_reduction <add>, %mul3A_415, %reduce_sum3A_416 [0] : vector<2000x128xf32> to vector<128xf32>
    %broadcast_in_dim3A_418 = vector.shape_cast %reduce_sum3A_417 : vector<128xf32> to vector<1x128xf32>
    %add3A_419 = arith.addf %add3A_294, %broadcast_in_dim3A_418 : vector<1x128xf32>
    %dma_start3A_420 = arith.constant 0 : i32
    %dma_start3A_421 = arith.constant 0 : i32
    %dma_start3A_422 = tpu.memref_slice %arg16[%dma_start3A_421] : memref<2x!tpu.dma_semaphore, #tpu.memory_space<semaphore_mem>> -> memref<1x!tpu.dma_semaphore, #tpu.memory_space<semaphore_mem>>
    %dma_start3A_423 = tpu.memref_squeeze %dma_start3A_422 : memref<1x!tpu.dma_semaphore, #tpu.memory_space<semaphore_mem>> -> memref<!tpu.dma_semaphore, #tpu.memory_space<semaphore_mem>>
    %dma_start3A_424 = arith.constant 0 : i32
    %dma_start3A_425 = arith.constant 0 : i32
    %dma_start3A_426 = tpu.memref_slice %arg13[%dma_start3A_420, %dma_start3A_424, %dma_start3A_425] : memref<2x2000x128xf32, #tpu.memory_space<vmem>> -> memref<1x2000x128xf32, #tpu.memory_space<vmem>>
    %dma_start3A_427 = tpu.memref_squeeze %dma_start3A_426 : memref<1x2000x128xf32, #tpu.memory_space<vmem>> -> memref<2000x128xf32, #tpu.memory_space<vmem>>
    %dma_start3A_428 = arith.constant 8000 : i32
    %dma_start3A_429 = arith.constant 0 : i32
    %dma_start3A_430 = tpu.memref_slice %arg0[%dma_start3A_428, %dma_start3A_429] : memref<10000x128xf32, #tpu.memory_space<hbm>> -> memref<2000x128xf32, #tpu.memory_space<hbm>>
    tpu.enqueue_dma source(%dma_start3A_430 : memref<2000x128xf32, #tpu.memory_space<hbm>>) target(%dma_start3A_427 : memref<2000x128xf32, #tpu.memory_space<vmem>>) target_semaphore(%dma_start3A_423 : memref<!tpu.dma_semaphore, #tpu.memory_space<semaphore_mem>>)
    %dma_start3A_431 = arith.constant 0 : i32
    %dma_start3A_432 = arith.constant 0 : i32
    %dma_start3A_433 = arith.constant 0 : i32
    %dma_start3A_434 = arith.constant 0 : i32
    %dma_start3A_435 = arith.constant 0 : i32
    %dma_start3A_436 = tpu.memref_slice %arg17[%dma_start3A_434, %dma_start3A_435] : memref<2x2x!tpu.dma_semaphore, #tpu.memory_space<semaphore_mem>> -> memref<1x1x!tpu.dma_semaphore, #tpu.memory_space<semaphore_mem>>
    %dma_start3A_437 = tpu.memref_squeeze %dma_start3A_436 : memref<1x1x!tpu.dma_semaphore, #tpu.memory_space<semaphore_mem>> -> memref<!tpu.dma_semaphore, #tpu.memory_space<semaphore_mem>>
    %dma_start3A_438 = arith.constant 0 : i32
    %dma_start3A_439 = arith.constant 0 : i32
    %dma_start3A_440 = tpu.memref_slice %arg14[%dma_start3A_432, %dma_start3A_433, %dma_start3A_438, %dma_start3A_439] : memref<2x2x2000x128xf32, #tpu.memory_space<vmem>> -> memref<1x1x2000x128xf32, #tpu.memory_space<vmem>>
    %dma_start3A_441 = tpu.memref_squeeze %dma_start3A_440 : memref<1x1x2000x128xf32, #tpu.memory_space<vmem>> -> memref<2000x128xf32, #tpu.memory_space<vmem>>
    %dma_start3A_442 = arith.constant 8000 : i32
    %dma_start3A_443 = arith.constant 0 : i32
    %dma_start3A_444 = tpu.memref_slice %arg1[%dma_start3A_431, %dma_start3A_442, %dma_start3A_443] : memref<2x10240x128xf32, #tpu.memory_space<hbm>> -> memref<1x2000x128xf32, #tpu.memory_space<hbm>>
    %dma_start3A_445 = tpu.memref_squeeze %dma_start3A_444 : memref<1x2000x128xf32, #tpu.memory_space<hbm>> -> memref<2000x128xf32, #tpu.memory_space<hbm>>
    tpu.enqueue_dma source(%dma_start3A_445 : memref<2000x128xf32, #tpu.memory_space<hbm>>) target(%dma_start3A_441 : memref<2000x128xf32, #tpu.memory_space<vmem>>) target_semaphore(%dma_start3A_437 : memref<!tpu.dma_semaphore, #tpu.memory_space<semaphore_mem>>)
    %dma_start3A_446 = arith.constant 1 : i32
    %dma_start3A_447 = arith.constant 1 : i32
    %dma_start3A_448 = arith.constant 0 : i32
    %dma_start3A_449 = arith.constant 1 : i32
    %dma_start3A_450 = arith.constant 0 : i32
    %dma_start3A_451 = tpu.memref_slice %arg17[%dma_start3A_449, %dma_start3A_450] : memref<2x2x!tpu.dma_semaphore, #tpu.memory_space<semaphore_mem>> -> memref<1x1x!tpu.dma_semaphore, #tpu.memory_space<semaphore_mem>>
    %dma_start3A_452 = tpu.memref_squeeze %dma_start3A_451 : memref<1x1x!tpu.dma_semaphore, #tpu.memory_space<semaphore_mem>> -> memref<!tpu.dma_semaphore, #tpu.memory_space<semaphore_mem>>
    %dma_start3A_453 = arith.constant 0 : i32
    %dma_start3A_454 = arith.constant 0 : i32
    %dma_start3A_455 = tpu.memref_slice %arg14[%dma_start3A_447, %dma_start3A_448, %dma_start3A_453, %dma_start3A_454] : memref<2x2x2000x128xf32, #tpu.memory_space<vmem>> -> memref<1x1x2000x128xf32, #tpu.memory_space<vmem>>
    %dma_start3A_456 = tpu.memref_squeeze %dma_start3A_455 : memref<1x1x2000x128xf32, #tpu.memory_space<vmem>> -> memref<2000x128xf32, #tpu.memory_space<vmem>>
    %dma_start3A_457 = arith.constant 8000 : i32
    %dma_start3A_458 = arith.constant 0 : i32
    %dma_start3A_459 = tpu.memref_slice %arg1[%dma_start3A_446, %dma_start3A_457, %dma_start3A_458] : memref<2x10240x128xf32, #tpu.memory_space<hbm>> -> memref<1x2000x128xf32, #tpu.memory_space<hbm>>
    %dma_start3A_460 = tpu.memref_squeeze %dma_start3A_459 : memref<1x2000x128xf32, #tpu.memory_space<hbm>> -> memref<2000x128xf32, #tpu.memory_space<hbm>>
    tpu.enqueue_dma source(%dma_start3A_460 : memref<2000x128xf32, #tpu.memory_space<hbm>>) target(%dma_start3A_456 : memref<2000x128xf32, #tpu.memory_space<vmem>>) target_semaphore(%dma_start3A_452 : memref<!tpu.dma_semaphore, #tpu.memory_space<semaphore_mem>>)
    %dma_wait3A_461 = arith.constant 1 : i32
    %dma_wait3A_462 = arith.constant 1 : i32
    %dma_wait3A_463 = tpu.memref_slice %arg16[%dma_wait3A_462] : memref<2x!tpu.dma_semaphore, #tpu.memory_space<semaphore_mem>> -> memref<1x!tpu.dma_semaphore, #tpu.memory_space<semaphore_mem>>
    %dma_wait3A_464 = tpu.memref_squeeze %dma_wait3A_463 : memref<1x!tpu.dma_semaphore, #tpu.memory_space<semaphore_mem>> -> memref<!tpu.dma_semaphore, #tpu.memory_space<semaphore_mem>>
    %dma_wait3A_465 = arith.constant 0 : i32
    %dma_wait3A_466 = arith.constant 0 : i32
    %dma_wait3A_467 = tpu.memref_slice %arg13[%dma_wait3A_461, %dma_wait3A_465, %dma_wait3A_466] : memref<2x2000x128xf32, #tpu.memory_space<vmem>> -> memref<1x2000x128xf32, #tpu.memory_space<vmem>>
    %dma_wait3A_468 = tpu.memref_squeeze %dma_wait3A_467 : memref<1x2000x128xf32, #tpu.memory_space<vmem>> -> memref<2000x128xf32, #tpu.memory_space<vmem>>
    %dma_wait3A_469 = arith.constant 6000 : i32
    %dma_wait3A_470 = arith.constant 0 : i32
    %dma_wait3A_471 = tpu.memref_slice %arg0[%dma_wait3A_469, %dma_wait3A_470] : memref<10000x128xf32, #tpu.memory_space<hbm>> -> memref<2000x128xf32, #tpu.memory_space<hbm>>
    tpu.wait_dma2 semaphore(%dma_wait3A_464 : memref<!tpu.dma_semaphore, #tpu.memory_space<semaphore_mem>>) src(%dma_wait3A_471 : memref<2000x128xf32, #tpu.memory_space<hbm>>) dst(%dma_wait3A_468 : memref<2000x128xf32, #tpu.memory_space<vmem>>)
    %dma_wait3A_472 = arith.constant 0 : i32
    %dma_wait3A_473 = arith.constant 0 : i32
    %dma_wait3A_474 = arith.constant 1 : i32
    %dma_wait3A_475 = arith.constant 0 : i32
    %dma_wait3A_476 = arith.constant 1 : i32
    %dma_wait3A_477 = tpu.memref_slice %arg17[%dma_wait3A_475, %dma_wait3A_476] : memref<2x2x!tpu.dma_semaphore, #tpu.memory_space<semaphore_mem>> -> memref<1x1x!tpu.dma_semaphore, #tpu.memory_space<semaphore_mem>>
    %dma_wait3A_478 = tpu.memref_squeeze %dma_wait3A_477 : memref<1x1x!tpu.dma_semaphore, #tpu.memory_space<semaphore_mem>> -> memref<!tpu.dma_semaphore, #tpu.memory_space<semaphore_mem>>
    %dma_wait3A_479 = arith.constant 0 : i32
    %dma_wait3A_480 = arith.constant 0 : i32
    %dma_wait3A_481 = tpu.memref_slice %arg14[%dma_wait3A_473, %dma_wait3A_474, %dma_wait3A_479, %dma_wait3A_480] : memref<2x2x2000x128xf32, #tpu.memory_space<vmem>> -> memref<1x1x2000x128xf32, #tpu.memory_space<vmem>>
    %dma_wait3A_482 = tpu.memref_squeeze %dma_wait3A_481 : memref<1x1x2000x128xf32, #tpu.memory_space<vmem>> -> memref<2000x128xf32, #tpu.memory_space<vmem>>
    %dma_wait3A_483 = arith.constant 6000 : i32
    %dma_wait3A_484 = arith.constant 0 : i32
    %dma_wait3A_485 = tpu.memref_slice %arg1[%dma_wait3A_472, %dma_wait3A_483, %dma_wait3A_484] : memref<2x10240x128xf32, #tpu.memory_space<hbm>> -> memref<1x2000x128xf32, #tpu.memory_space<hbm>>
    %dma_wait3A_486 = tpu.memref_squeeze %dma_wait3A_485 : memref<1x2000x128xf32, #tpu.memory_space<hbm>> -> memref<2000x128xf32, #tpu.memory_space<hbm>>
    tpu.wait_dma2 semaphore(%dma_wait3A_478 : memref<!tpu.dma_semaphore, #tpu.memory_space<semaphore_mem>>) src(%dma_wait3A_486 : memref<2000x128xf32, #tpu.memory_space<hbm>>) dst(%dma_wait3A_482 : memref<2000x128xf32, #tpu.memory_space<vmem>>)
    %dma_wait3A_487 = arith.constant 1 : i32
    %dma_wait3A_488 = arith.constant 1 : i32
    %dma_wait3A_489 = arith.constant 1 : i32
    %dma_wait3A_490 = arith.constant 1 : i32
    %dma_wait3A_491 = arith.constant 1 : i32
    %dma_wait3A_492 = tpu.memref_slice %arg17[%dma_wait3A_490, %dma_wait3A_491] : memref<2x2x!tpu.dma_semaphore, #tpu.memory_space<semaphore_mem>> -> memref<1x1x!tpu.dma_semaphore, #tpu.memory_space<semaphore_mem>>
    %dma_wait3A_493 = tpu.memref_squeeze %dma_wait3A_492 : memref<1x1x!tpu.dma_semaphore, #tpu.memory_space<semaphore_mem>> -> memref<!tpu.dma_semaphore, #tpu.memory_space<semaphore_mem>>
    %dma_wait3A_494 = arith.constant 0 : i32
    %dma_wait3A_495 = arith.constant 0 : i32
    %dma_wait3A_496 = tpu.memref_slice %arg14[%dma_wait3A_488, %dma_wait3A_489, %dma_wait3A_494, %dma_wait3A_495] : memref<2x2x2000x128xf32, #tpu.memory_space<vmem>> -> memref<1x1x2000x128xf32, #tpu.memory_space<vmem>>
    %dma_wait3A_497 = tpu.memref_squeeze %dma_wait3A_496 : memref<1x1x2000x128xf32, #tpu.memory_space<vmem>> -> memref<2000x128xf32, #tpu.memory_space<vmem>>
    %dma_wait3A_498 = arith.constant 6000 : i32
    %dma_wait3A_499 = arith.constant 0 : i32
    %dma_wait3A_500 = tpu.memref_slice %arg1[%dma_wait3A_487, %dma_wait3A_498, %dma_wait3A_499] : memref<2x10240x128xf32, #tpu.memory_space<hbm>> -> memref<1x2000x128xf32, #tpu.memory_space<hbm>>
    %dma_wait3A_501 = tpu.memref_squeeze %dma_wait3A_500 : memref<1x2000x128xf32, #tpu.memory_space<hbm>> -> memref<2000x128xf32, #tpu.memory_space<hbm>>
    tpu.wait_dma2 semaphore(%dma_wait3A_493 : memref<!tpu.dma_semaphore, #tpu.memory_space<semaphore_mem>>) src(%dma_wait3A_501 : memref<2000x128xf32, #tpu.memory_space<hbm>>) dst(%dma_wait3A_497 : memref<2000x128xf32, #tpu.memory_space<vmem>>)
    %add3A_502 = arith.constant 1.000000e+00 : f32
    %add3A_503 = arith.addf %add3A_502, %get3A_0 : f32
    %get3A_504 = arith.constant 1 : index
    %get3A_505 = arith.constant 0 : index
    %get3A_506 = arith.constant 0 : index
    %get3A_507 = vector.load %arg13[%get3A_504, %get3A_505, %get3A_506] : memref<2x2000x128xf32, #tpu.memory_space<vmem>>, vector<1x2000x128xf32>
    %get3A_508 = vector.shape_cast %get3A_507 : vector<1x2000x128xf32> to vector<2000x128xf32>
    %mul3A_509 = vector.broadcast %add3A_503 : f32 to vector<2000x128xf32>
    %mul3A_510 = arith.mulf %mul3A_509, %get3A_508 : vector<2000x128xf32>
    %get3A_511 = arith.constant 0 : index
    %get3A_512 = arith.constant 1 : index
    %get3A_513 = arith.constant 0 : index
    %get3A_514 = arith.constant 0 : index
    %get3A_515 = vector.load %arg14[%get3A_511, %get3A_512, %get3A_513, %get3A_514] : memref<2x2x2000x128xf32, #tpu.memory_space<vmem>>, vector<1x1x2000x128xf32>
    %get3A_516 = vector.shape_cast %get3A_515 : vector<1x1x2000x128xf32> to vector<2000x128xf32>
    %add3A_517 = arith.addf %mul3A_510, %get3A_516 : vector<2000x128xf32>
    %get3A_518 = arith.constant 1 : index
    %get3A_519 = arith.constant 1 : index
    %get3A_520 = arith.constant 0 : index
    %get3A_521 = arith.constant 0 : index
    %get3A_522 = vector.load %arg14[%get3A_518, %get3A_519, %get3A_520, %get3A_521] : memref<2x2x2000x128xf32, #tpu.memory_space<vmem>>, vector<1x1x2000x128xf32>
    %get3A_523 = vector.shape_cast %get3A_522 : vector<1x1x2000x128xf32> to vector<2000x128xf32>
    %add3A_524 = arith.addf %add3A_517, %get3A_523 : vector<2000x128xf32>
    %convert_element_type3A_525 = arith.truncf %add3A_524 : vector<2000x128xf32> to vector<2000x128xbf16>
    %dot_general3A_526 = arith.constant dense<0.000000e+00> : vector<2000x128xf32>
    %dot_general3A_527 = tpu.matmul %convert_element_type3A_525, %convert_element_type3A, %dot_general3A_526 {dimension_numbers = #tpu.dot_dimension_numbers<[1], [1], [0], [0], [0, 0, 1, 0], [], []>, transpose_lhs_hint = false} : vector<2000x128xbf16>, vector<128x128xbf16>, vector<2000x128xf32> -> vector<2000x128xf32>
    %get3A_528 = arith.constant 0 : index
    %get3A_529 = arith.constant 0 : index
    %get3A_530 = vector.load %arg4[%get3A_528, %get3A_529] : memref<1x128xf32, #tpu.memory_space<vmem>>, vector<1x128xf32>
    %add3A_531 = vector.broadcast %get3A_530 : vector<1x128xf32> to vector<2000x128xf32>
    %add3A_532 = arith.addf %dot_general3A_527, %add3A_531 : vector<2000x128xf32>
    %swap3A_533 = arith.constant 6000 : index
    %swap3A_534 = arith.constant 0 : index
    %swap3A_535 = vector.load %arg12[%swap3A_533, %swap3A_534] : memref<10000x128xf32, #tpu.memory_space<vmem>>, vector<2000x128xf32>
    tpu.vector_store %arg12[%swap3A_533, %swap3A_534], %add3A_532 {strides = array<i32>} : memref<10000x128xf32, #tpu.memory_space<vmem>>, vector<2000x128xf32>,
    %reduce_sum3A_536 = arith.constant dense<0.000000e+00> : vector<128xf32>
    %reduce_sum3A_537 = vector.multi_reduction <add>, %add3A_532, %reduce_sum3A_536 [0] : vector<2000x128xf32> to vector<128xf32>
    %broadcast_in_dim3A_538 = vector.shape_cast %reduce_sum3A_537 : vector<128xf32> to vector<1x128xf32>
    %add3A_539 = arith.addf %add3A_414, %broadcast_in_dim3A_538 : vector<1x128xf32>
    %mul3A_540 = arith.mulf %add3A_532, %add3A_532 : vector<2000x128xf32>
    %reduce_sum3A_541 = arith.constant dense<0.000000e+00> : vector<128xf32>
    %reduce_sum3A_542 = vector.multi_reduction <add>, %mul3A_540, %reduce_sum3A_541 [0] : vector<2000x128xf32> to vector<128xf32>
    %broadcast_in_dim3A_543 = vector.shape_cast %reduce_sum3A_542 : vector<128xf32> to vector<1x128xf32>
    %add3A_544 = arith.addf %add3A_419, %broadcast_in_dim3A_543 : vector<1x128xf32>
    %dma_wait3A_545 = arith.constant 0 : i32
    %dma_wait3A_546 = arith.constant 0 : i32
    %dma_wait3A_547 = tpu.memref_slice %arg16[%dma_wait3A_546] : memref<2x!tpu.dma_semaphore, #tpu.memory_space<semaphore_mem>> -> memref<1x!tpu.dma_semaphore, #tpu.memory_space<semaphore_mem>>
    %dma_wait3A_548 = tpu.memref_squeeze %dma_wait3A_547 : memref<1x!tpu.dma_semaphore, #tpu.memory_space<semaphore_mem>> -> memref<!tpu.dma_semaphore, #tpu.memory_space<semaphore_mem>>
    %dma_wait3A_549 = arith.constant 0 : i32
    %dma_wait3A_550 = arith.constant 0 : i32
    %dma_wait3A_551 = tpu.memref_slice %arg13[%dma_wait3A_545, %dma_wait3A_549, %dma_wait3A_550] : memref<2x2000x128xf32, #tpu.memory_space<vmem>> -> memref<1x2000x128xf32, #tpu.memory_space<vmem>>
    %dma_wait3A_552 = tpu.memref_squeeze %dma_wait3A_551 : memref<1x2000x128xf32, #tpu.memory_space<vmem>> -> memref<2000x128xf32, #tpu.memory_space<vmem>>
    %dma_wait3A_553 = arith.constant 8000 : i32
    %dma_wait3A_554 = arith.constant 0 : i32
    %dma_wait3A_555 = tpu.memref_slice %arg0[%dma_wait3A_553, %dma_wait3A_554] : memref<10000x128xf32, #tpu.memory_space<hbm>> -> memref<2000x128xf32, #tpu.memory_space<hbm>>
    tpu.wait_dma2 semaphore(%dma_wait3A_548 : memref<!tpu.dma_semaphore, #tpu.memory_space<semaphore_mem>>) src(%dma_wait3A_555 : memref<2000x128xf32, #tpu.memory_space<hbm>>) dst(%dma_wait3A_552 : memref<2000x128xf32, #tpu.memory_space<vmem>>)
    %dma_wait3A_556 = arith.constant 0 : i32
    %dma_wait3A_557 = arith.constant 0 : i32
    %dma_wait3A_558 = arith.constant 0 : i32
    %dma_wait3A_559 = arith.constant 0 : i32
    %dma_wait3A_560 = arith.constant 0 : i32
    %dma_wait3A_561 = tpu.memref_slice %arg17[%dma_wait3A_559, %dma_wait3A_560] : memref<2x2x!tpu.dma_semaphore, #tpu.memory_space<semaphore_mem>> -> memref<1x1x!tpu.dma_semaphore, #tpu.memory_space<semaphore_mem>>
    %dma_wait3A_562 = tpu.memref_squeeze %dma_wait3A_561 : memref<1x1x!tpu.dma_semaphore, #tpu.memory_space<semaphore_mem>> -> memref<!tpu.dma_semaphore, #tpu.memory_space<semaphore_mem>>
    %dma_wait3A_563 = arith.constant 0 : i32
    %dma_wait3A_564 = arith.constant 0 : i32
    %dma_wait3A_565 = tpu.memref_slice %arg14[%dma_wait3A_557, %dma_wait3A_558, %dma_wait3A_563, %dma_wait3A_564] : memref<2x2x2000x128xf32, #tpu.memory_space<vmem>> -> memref<1x1x2000x128xf32, #tpu.memory_space<vmem>>
    %dma_wait3A_566 = tpu.memref_squeeze %dma_wait3A_565 : memref<1x1x2000x128xf32, #tpu.memory_space<vmem>> -> memref<2000x128xf32, #tpu.memory_space<vmem>>
    %dma_wait3A_567 = arith.constant 8000 : i32
    %dma_wait3A_568 = arith.constant 0 : i32
    %dma_wait3A_569 = tpu.memref_slice %arg1[%dma_wait3A_556, %dma_wait3A_567, %dma_wait3A_568] : memref<2x10240x128xf32, #tpu.memory_space<hbm>> -> memref<1x2000x128xf32, #tpu.memory_space<hbm>>
    %dma_wait3A_570 = tpu.memref_squeeze %dma_wait3A_569 : memref<1x2000x128xf32, #tpu.memory_space<hbm>> -> memref<2000x128xf32, #tpu.memory_space<hbm>>
    tpu.wait_dma2 semaphore(%dma_wait3A_562 : memref<!tpu.dma_semaphore, #tpu.memory_space<semaphore_mem>>) src(%dma_wait3A_570 : memref<2000x128xf32, #tpu.memory_space<hbm>>) dst(%dma_wait3A_566 : memref<2000x128xf32, #tpu.memory_space<vmem>>)
    %dma_wait3A_571 = arith.constant 1 : i32
    %dma_wait3A_572 = arith.constant 1 : i32
    %dma_wait3A_573 = arith.constant 0 : i32
    %dma_wait3A_574 = arith.constant 1 : i32
    %dma_wait3A_575 = arith.constant 0 : i32
    %dma_wait3A_576 = tpu.memref_slice %arg17[%dma_wait3A_574, %dma_wait3A_575] : memref<2x2x!tpu.dma_semaphore, #tpu.memory_space<semaphore_mem>> -> memref<1x1x!tpu.dma_semaphore, #tpu.memory_space<semaphore_mem>>
    %dma_wait3A_577 = tpu.memref_squeeze %dma_wait3A_576 : memref<1x1x!tpu.dma_semaphore, #tpu.memory_space<semaphore_mem>> -> memref<!tpu.dma_semaphore, #tpu.memory_space<semaphore_mem>>
    %dma_wait3A_578 = arith.constant 0 : i32
    %dma_wait3A_579 = arith.constant 0 : i32
    %dma_wait3A_580 = tpu.memref_slice %arg14[%dma_wait3A_572, %dma_wait3A_573, %dma_wait3A_578, %dma_wait3A_579] : memref<2x2x2000x128xf32, #tpu.memory_space<vmem>> -> memref<1x1x2000x128xf32, #tpu.memory_space<vmem>>
    %dma_wait3A_581 = tpu.memref_squeeze %dma_wait3A_580 : memref<1x1x2000x128xf32, #tpu.memory_space<vmem>> -> memref<2000x128xf32, #tpu.memory_space<vmem>>
    %dma_wait3A_582 = arith.constant 8000 : i32
    %dma_wait3A_583 = arith.constant 0 : i32
    %dma_wait3A_584 = tpu.memref_slice %arg1[%dma_wait3A_571, %dma_wait3A_582, %dma_wait3A_583] : memref<2x10240x128xf32, #tpu.memory_space<hbm>> -> memref<1x2000x128xf32, #tpu.memory_space<hbm>>
    %dma_wait3A_585 = tpu.memref_squeeze %dma_wait3A_584 : memref<1x2000x128xf32, #tpu.memory_space<hbm>> -> memref<2000x128xf32, #tpu.memory_space<hbm>>
    tpu.wait_dma2 semaphore(%dma_wait3A_577 : memref<!tpu.dma_semaphore, #tpu.memory_space<semaphore_mem>>) src(%dma_wait3A_585 : memref<2000x128xf32, #tpu.memory_space<hbm>>) dst(%dma_wait3A_581 : memref<2000x128xf32, #tpu.memory_space<vmem>>)
    %add3A_586 = arith.constant 1.000000e+00 : f32
    %add3A_587 = arith.addf %add3A_586, %get3A_0 : f32
    %get3A_588 = arith.constant 0 : index
    %get3A_589 = arith.constant 0 : index
    %get3A_590 = arith.constant 0 : index
    %get3A_591 = vector.load %arg13[%get3A_588, %get3A_589, %get3A_590] : memref<2x2000x128xf32, #tpu.memory_space<vmem>>, vector<1x2000x128xf32>
    %get3A_592 = vector.shape_cast %get3A_591 : vector<1x2000x128xf32> to vector<2000x128xf32>
    %mul3A_593 = vector.broadcast %add3A_587 : f32 to vector<2000x128xf32>
    %mul3A_594 = arith.mulf %mul3A_593, %get3A_592 : vector<2000x128xf32>
    %get3A_595 = arith.constant 0 : index
    %get3A_596 = arith.constant 0 : index
    %get3A_597 = arith.constant 0 : index
    %get3A_598 = arith.constant 0 : index
    %get3A_599 = vector.load %arg14[%get3A_595, %get3A_596, %get3A_597, %get3A_598] : memref<2x2x2000x128xf32, #tpu.memory_space<vmem>>, vector<1x1x2000x128xf32>
    %get3A_600 = vector.shape_cast %get3A_599 : vector<1x1x2000x128xf32> to vector<2000x128xf32>
    %add3A_601 = arith.addf %mul3A_594, %get3A_600 : vector<2000x128xf32>
    %get3A_602 = arith.constant 1 : index
    %get3A_603 = arith.constant 0 : index
    %get3A_604 = arith.constant 0 : index
    %get3A_605 = arith.constant 0 : index
    %get3A_606 = vector.load %arg14[%get3A_602, %get3A_603, %get3A_604, %get3A_605] : memref<2x2x2000x128xf32, #tpu.memory_space<vmem>>, vector<1x1x2000x128xf32>
    %get3A_607 = vector.shape_cast %get3A_606 : vector<1x1x2000x128xf32> to vector<2000x128xf32>
    %add3A_608 = arith.addf %add3A_601, %get3A_607 : vector<2000x128xf32>
    %convert_element_type3A_609 = arith.truncf %add3A_608 : vector<2000x128xf32> to vector<2000x128xbf16>
    %dot_general3A_610 = arith.constant dense<0.000000e+00> : vector<2000x128xf32>
    %dot_general3A_611 = tpu.matmul %convert_element_type3A_609, %convert_element_type3A, %dot_general3A_610 {dimension_numbers = #tpu.dot_dimension_numbers<[1], [1], [0], [0], [0, 0, 1, 0], [], []>, transpose_lhs_hint = false} : vector<2000x128xbf16>, vector<128x128xbf16>, vector<2000x128xf32> -> vector<2000x128xf32>
    %get3A_612 = arith.constant 0 : index
    %get3A_613 = arith.constant 0 : index
    %get3A_614 = vector.load %arg4[%get3A_612, %get3A_613] : memref<1x128xf32, #tpu.memory_space<vmem>>, vector<1x128xf32>
    %add3A_615 = vector.broadcast %get3A_614 : vector<1x128xf32> to vector<2000x128xf32>
    %add3A_616 = arith.addf %dot_general3A_611, %add3A_615 : vector<2000x128xf32>
    %swap3A_617 = arith.constant 8000 : index
    %swap3A_618 = arith.constant 0 : index
    %swap3A_619 = vector.load %arg12[%swap3A_617, %swap3A_618] : memref<10000x128xf32, #tpu.memory_space<vmem>>, vector<2000x128xf32>
    tpu.vector_store %arg12[%swap3A_617, %swap3A_618], %add3A_616 {strides = array<i32>} : memref<10000x128xf32, #tpu.memory_space<vmem>>, vector<2000x128xf32>,
    %reduce_sum3A_620 = arith.constant dense<0.000000e+00> : vector<128xf32>
    %reduce_sum3A_621 = vector.multi_reduction <add>, %add3A_616, %reduce_sum3A_620 [0] : vector<2000x128xf32> to vector<128xf32>
    %broadcast_in_dim3A_622 = vector.shape_cast %reduce_sum3A_621 : vector<128xf32> to vector<1x128xf32>
    %add3A_623 = arith.addf %add3A_539, %broadcast_in_dim3A_622 : vector<1x128xf32>
    %mul3A_624 = arith.mulf %add3A_616, %add3A_616 : vector<2000x128xf32>
    %reduce_sum3A_625 = arith.constant dense<0.000000e+00> : vector<128xf32>
    %reduce_sum3A_626 = vector.multi_reduction <add>, %mul3A_624, %reduce_sum3A_625 [0] : vector<2000x128xf32> to vector<128xf32>
    %broadcast_in_dim3A_627 = vector.shape_cast %reduce_sum3A_626 : vector<128xf32> to vector<1x128xf32>
    %add3A_628 = arith.addf %add3A_544, %broadcast_in_dim3A_627 : vector<1x128xf32>
    %mul3A_629 = arith.constant 9.99999974E-5 : f32
    %mul3A_630 = vector.broadcast %mul3A_629 : f32 to vector<1x128xf32>
    %mul3A_631 = arith.mulf %add3A_623, %mul3A_630 : vector<1x128xf32>
    %mul3A_632 = arith.constant 9.99999974E-5 : f32
    %mul3A_633 = vector.broadcast %mul3A_632 : f32 to vector<1x128xf32>
    %mul3A_634 = arith.mulf %add3A_628, %mul3A_633 : vector<1x128xf32>
    %mul3A_635 = arith.mulf %mul3A_631, %mul3A_631 : vector<1x128xf32>
    %sub3A = arith.subf %mul3A_634, %mul3A_635 : vector<1x128xf32>
    %get3A_636 = arith.constant 0 : index
    %get3A_637 = arith.constant 0 : index
    %get3A_638 = vector.load %arg5[%get3A_636, %get3A_637] : memref<1x128xf32, #tpu.memory_space<vmem>>, vector<1x128xf32>
    %add3A_639 = arith.constant 9.99999974E-6 : f32
    %add3A_640 = vector.broadcast %add3A_639 : f32 to vector<1x128xf32>
    %add3A_641 = arith.addf %sub3A, %add3A_640 : vector<1x128xf32>
    %rsqrt3A = math.rsqrt %add3A_641 : vector<1x128xf32>
    %mul3A_642 = arith.mulf %get3A_638, %rsqrt3A : vector<1x128xf32>
    %get3A_643 = arith.constant 0 : index
    %get3A_644 = arith.constant 0 : index
    %get3A_645 = vector.load %arg6[%get3A_643, %get3A_644] : memref<1x128xf32, #tpu.memory_space<vmem>>, vector<1x128xf32>
    %mul3A_646 = arith.mulf %mul3A_631, %mul3A_642 : vector<1x128xf32>
    %sub3A_647 = arith.subf %get3A_645, %mul3A_646 : vector<1x128xf32>
    %broadcast_in_dim3A_648 = arith.constant 0.000000e+00 : f32
    %broadcast_in_dim3A_649 = vector.broadcast %broadcast_in_dim3A_648 : f32 to vector<1x128xf32>
    %broadcast_in_dim3A_650 = arith.constant 0.000000e+00 : f32
    %broadcast_in_dim3A_651 = vector.broadcast %broadcast_in_dim3A_650 : f32 to vector<1x128xf32>
    %get3A_652 = arith.constant 0 : index
    %get3A_653 = arith.constant 0 : index
    %get3A_654 = vector.load %arg12[%get3A_652, %get3A_653] : memref<10000x128xf32, #tpu.memory_space<vmem>>, vector<2000x128xf32>
    %mul3A_655 = vector.broadcast %mul3A_642 : vector<1x128xf32> to vector<2000x128xf32>
    %mul3A_656 = arith.mulf %get3A_654, %mul3A_655 : vector<2000x128xf32>
    %add3A_657 = vector.broadcast %sub3A_647 : vector<1x128xf32> to vector<2000x128xf32>
    %add3A_658 = arith.addf %mul3A_656, %add3A_657 : vector<2000x128xf32>
    %max3A = arith.constant 0.000000e+00 : f32
    %max3A_659 = vector.broadcast %max3A : f32 to vector<2000x128xf32>
    %max3A_660 = arith.maximumf %add3A_658, %max3A_659 : vector<2000x128xf32>
    %convert_element_type3A_661 = arith.truncf %max3A_660 : vector<2000x128xf32> to vector<2000x128xbf16>
    %dot_general3A_662 = arith.constant dense<0.000000e+00> : vector<2000x128xf32>
    %dot_general3A_663 = tpu.matmul %convert_element_type3A_661, %convert_element_type3A_7, %dot_general3A_662 {dimension_numbers = #tpu.dot_dimension_numbers<[1], [1], [0], [0], [0, 0, 1, 0], [], []>, transpose_lhs_hint = false} : vector<2000x128xbf16>, vector<128x128xbf16>, vector<2000x128xf32> -> vector<2000x128xf32>
    %get3A_664 = arith.constant 0 : index
    %get3A_665 = arith.constant 0 : index
    %get3A_666 = vector.load %arg8[%get3A_664, %get3A_665] : memref<1x128xf32, #tpu.memory_space<vmem>>, vector<1x128xf32>
    %add3A_667 = vector.broadcast %get3A_666 : vector<1x128xf32> to vector<2000x128xf32>
    %add3A_668 = arith.addf %dot_general3A_663, %add3A_667 : vector<2000x128xf32>
    %swap3A_669 = arith.constant 0 : index
    %swap3A_670 = arith.constant 0 : index
    %swap3A_671 = vector.load %arg12[%swap3A_669, %swap3A_670] : memref<10000x128xf32, #tpu.memory_space<vmem>>, vector<2000x128xf32>
    tpu.vector_store %arg12[%swap3A_669, %swap3A_670], %add3A_668 {strides = array<i32>} : memref<10000x128xf32, #tpu.memory_space<vmem>>, vector<2000x128xf32>,
    %reduce_sum3A_672 = arith.constant dense<0.000000e+00> : vector<128xf32>
    %reduce_sum3A_673 = vector.multi_reduction <add>, %add3A_668, %reduce_sum3A_672 [0] : vector<2000x128xf32> to vector<128xf32>
    %broadcast_in_dim3A_674 = vector.shape_cast %reduce_sum3A_673 : vector<128xf32> to vector<1x128xf32>
    %add3A_675 = arith.addf %broadcast_in_dim3A_649, %broadcast_in_dim3A_674 : vector<1x128xf32>
    %mul3A_676 = arith.mulf %add3A_668, %add3A_668 : vector<2000x128xf32>
    %reduce_sum3A_677 = arith.constant dense<0.000000e+00> : vector<128xf32>
    %reduce_sum3A_678 = vector.multi_reduction <add>, %mul3A_676, %reduce_sum3A_677 [0] : vector<2000x128xf32> to vector<128xf32>
    %broadcast_in_dim3A_679 = vector.shape_cast %reduce_sum3A_678 : vector<128xf32> to vector<1x128xf32>
    %add3A_680 = arith.addf %broadcast_in_dim3A_651, %broadcast_in_dim3A_679 : vector<1x128xf32>
    %get3A_681 = arith.constant 2000 : index
    %get3A_682 = arith.constant 0 : index
    %get3A_683 = vector.load %arg12[%get3A_681, %get3A_682] : memref<10000x128xf32, #tpu.memory_space<vmem>>, vector<2000x128xf32>
    %mul3A_684 = vector.broadcast %mul3A_642 : vector<1x128xf32> to vector<2000x128xf32>
    %mul3A_685 = arith.mulf %get3A_683, %mul3A_684 : vector<2000x128xf32>
    %add3A_686 = vector.broadcast %sub3A_647 : vector<1x128xf32> to vector<2000x128xf32>
    %add3A_687 = arith.addf %mul3A_685, %add3A_686 : vector<2000x128xf32>
    %max3A_688 = arith.constant 0.000000e+00 : f32
    %max3A_689 = vector.broadcast %max3A_688 : f32 to vector<2000x128xf32>
    %max3A_690 = arith.maximumf %add3A_687, %max3A_689 : vector<2000x128xf32>
    %convert_element_type3A_691 = arith.truncf %max3A_690 : vector<2000x128xf32> to vector<2000x128xbf16>
    %dot_general3A_692 = arith.constant dense<0.000000e+00> : vector<2000x128xf32>
    %dot_general3A_693 = tpu.matmul %convert_element_type3A_691, %convert_element_type3A_7, %dot_general3A_692 {dimension_numbers = #tpu.dot_dimension_numbers<[1], [1], [0], [0], [0, 0, 1, 0], [], []>, transpose_lhs_hint = false} : vector<2000x128xbf16>, vector<128x128xbf16>, vector<2000x128xf32> -> vector<2000x128xf32>
    %get3A_694 = arith.constant 0 : index
    %get3A_695 = arith.constant 0 : index
    %get3A_696 = vector.load %arg8[%get3A_694, %get3A_695] : memref<1x128xf32, #tpu.memory_space<vmem>>, vector<1x128xf32>
    %add3A_697 = vector.broadcast %get3A_696 : vector<1x128xf32> to vector<2000x128xf32>
    %add3A_698 = arith.addf %dot_general3A_693, %add3A_697 : vector<2000x128xf32>
    %swap3A_699 = arith.constant 2000 : index
    %swap3A_700 = arith.constant 0 : index
    %swap3A_701 = vector.load %arg12[%swap3A_699, %swap3A_700] : memref<10000x128xf32, #tpu.memory_space<vmem>>, vector<2000x128xf32>
    tpu.vector_store %arg12[%swap3A_699, %swap3A_700], %add3A_698 {strides = array<i32>} : memref<10000x128xf32, #tpu.memory_space<vmem>>, vector<2000x128xf32>,
    %reduce_sum3A_702 = arith.constant dense<0.000000e+00> : vector<128xf32>
    %reduce_sum3A_703 = vector.multi_reduction <add>, %add3A_698, %reduce_sum3A_702 [0] : vector<2000x128xf32> to vector<128xf32>
    %broadcast_in_dim3A_704 = vector.shape_cast %reduce_sum3A_703 : vector<128xf32> to vector<1x128xf32>
    %add3A_705 = arith.addf %add3A_675, %broadcast_in_dim3A_704 : vector<1x128xf32>
    %mul3A_706 = arith.mulf %add3A_698, %add3A_698 : vector<2000x128xf32>
    %reduce_sum3A_707 = arith.constant dense<0.000000e+00> : vector<128xf32>
    %reduce_sum3A_708 = vector.multi_reduction <add>, %mul3A_706, %reduce_sum3A_707 [0] : vector<2000x128xf32> to vector<128xf32>
    %broadcast_in_dim3A_709 = vector.shape_cast %reduce_sum3A_708 : vector<128xf32> to vector<1x128xf32>
    %add3A_710 = arith.addf %add3A_680, %broadcast_in_dim3A_709 : vector<1x128xf32>
    %get3A_711 = arith.constant 4000 : index
    %get3A_712 = arith.constant 0 : index
    %get3A_713 = vector.load %arg12[%get3A_711, %get3A_712] : memref<10000x128xf32, #tpu.memory_space<vmem>>, vector<2000x128xf32>
    %mul3A_714 = vector.broadcast %mul3A_642 : vector<1x128xf32> to vector<2000x128xf32>
    %mul3A_715 = arith.mulf %get3A_713, %mul3A_714 : vector<2000x128xf32>
    %add3A_716 = vector.broadcast %sub3A_647 : vector<1x128xf32> to vector<2000x128xf32>
    %add3A_717 = arith.addf %mul3A_715, %add3A_716 : vector<2000x128xf32>
    %max3A_718 = arith.constant 0.000000e+00 : f32
    %max3A_719 = vector.broadcast %max3A_718 : f32 to vector<2000x128xf32>
    %max3A_720 = arith.maximumf %add3A_717, %max3A_719 : vector<2000x128xf32>
    %convert_element_type3A_721 = arith.truncf %max3A_720 : vector<2000x128xf32> to vector<2000x128xbf16>
    %dot_general3A_722 = arith.constant dense<0.000000e+00> : vector<2000x128xf32>
    %dot_general3A_723 = tpu.matmul %convert_element_type3A_721, %convert_element_type3A_7, %dot_general3A_722 {dimension_numbers = #tpu.dot_dimension_numbers<[1], [1], [0], [0], [0, 0, 1, 0], [], []>, transpose_lhs_hint = false} : vector<2000x128xbf16>, vector<128x128xbf16>, vector<2000x128xf32> -> vector<2000x128xf32>
    %get3A_724 = arith.constant 0 : index
    %get3A_725 = arith.constant 0 : index
    %get3A_726 = vector.load %arg8[%get3A_724, %get3A_725] : memref<1x128xf32, #tpu.memory_space<vmem>>, vector<1x128xf32>
    %add3A_727 = vector.broadcast %get3A_726 : vector<1x128xf32> to vector<2000x128xf32>
    %add3A_728 = arith.addf %dot_general3A_723, %add3A_727 : vector<2000x128xf32>
    %swap3A_729 = arith.constant 4000 : index
    %swap3A_730 = arith.constant 0 : index
    %swap3A_731 = vector.load %arg12[%swap3A_729, %swap3A_730] : memref<10000x128xf32, #tpu.memory_space<vmem>>, vector<2000x128xf32>
    tpu.vector_store %arg12[%swap3A_729, %swap3A_730], %add3A_728 {strides = array<i32>} : memref<10000x128xf32, #tpu.memory_space<vmem>>, vector<2000x128xf32>,
    %reduce_sum3A_732 = arith.constant dense<0.000000e+00> : vector<128xf32>
    %reduce_sum3A_733 = vector.multi_reduction <add>, %add3A_728, %reduce_sum3A_732 [0] : vector<2000x128xf32> to vector<128xf32>
    %broadcast_in_dim3A_734 = vector.shape_cast %reduce_sum3A_733 : vector<128xf32> to vector<1x128xf32>
    %add3A_735 = arith.addf %add3A_705, %broadcast_in_dim3A_734 : vector<1x128xf32>
    %mul3A_736 = arith.mulf %add3A_728, %add3A_728 : vector<2000x128xf32>
    %reduce_sum3A_737 = arith.constant dense<0.000000e+00> : vector<128xf32>
    %reduce_sum3A_738 = vector.multi_reduction <add>, %mul3A_736, %reduce_sum3A_737 [0] : vector<2000x128xf32> to vector<128xf32>
    %broadcast_in_dim3A_739 = vector.shape_cast %reduce_sum3A_738 : vector<128xf32> to vector<1x128xf32>
    %add3A_740 = arith.addf %add3A_710, %broadcast_in_dim3A_739 : vector<1x128xf32>
    %get3A_741 = arith.constant 6000 : index
    %get3A_742 = arith.constant 0 : index
    %get3A_743 = vector.load %arg12[%get3A_741, %get3A_742] : memref<10000x128xf32, #tpu.memory_space<vmem>>, vector<2000x128xf32>
    %mul3A_744 = vector.broadcast %mul3A_642 : vector<1x128xf32> to vector<2000x128xf32>
    %mul3A_745 = arith.mulf %get3A_743, %mul3A_744 : vector<2000x128xf32>
    %add3A_746 = vector.broadcast %sub3A_647 : vector<1x128xf32> to vector<2000x128xf32>
    %add3A_747 = arith.addf %mul3A_745, %add3A_746 : vector<2000x128xf32>
    %max3A_748 = arith.constant 0.000000e+00 : f32
    %max3A_749 = vector.broadcast %max3A_748 : f32 to vector<2000x128xf32>
    %max3A_750 = arith.maximumf %add3A_747, %max3A_749 : vector<2000x128xf32>
    %convert_element_type3A_751 = arith.truncf %max3A_750 : vector<2000x128xf32> to vector<2000x128xbf16>
    %dot_general3A_752 = arith.constant dense<0.000000e+00> : vector<2000x128xf32>
    %dot_general3A_753 = tpu.matmul %convert_element_type3A_751, %convert_element_type3A_7, %dot_general3A_752 {dimension_numbers = #tpu.dot_dimension_numbers<[1], [1], [0], [0], [0, 0, 1, 0], [], []>, transpose_lhs_hint = false} : vector<2000x128xbf16>, vector<128x128xbf16>, vector<2000x128xf32> -> vector<2000x128xf32>
    %get3A_754 = arith.constant 0 : index
    %get3A_755 = arith.constant 0 : index
    %get3A_756 = vector.load %arg8[%get3A_754, %get3A_755] : memref<1x128xf32, #tpu.memory_space<vmem>>, vector<1x128xf32>
    %add3A_757 = vector.broadcast %get3A_756 : vector<1x128xf32> to vector<2000x128xf32>
    %add3A_758 = arith.addf %dot_general3A_753, %add3A_757 : vector<2000x128xf32>
    %swap3A_759 = arith.constant 6000 : index
    %swap3A_760 = arith.constant 0 : index
    %swap3A_761 = vector.load %arg12[%swap3A_759, %swap3A_760] : memref<10000x128xf32, #tpu.memory_space<vmem>>, vector<2000x128xf32>
    tpu.vector_store %arg12[%swap3A_759, %swap3A_760], %add3A_758 {strides = array<i32>} : memref<10000x128xf32, #tpu.memory_space<vmem>>, vector<2000x128xf32>,
    %reduce_sum3A_762 = arith.constant dense<0.000000e+00> : vector<128xf32>
    %reduce_sum3A_763 = vector.multi_reduction <add>, %add3A_758, %reduce_sum3A_762 [0] : vector<2000x128xf32> to vector<128xf32>
    %broadcast_in_dim3A_764 = vector.shape_cast %reduce_sum3A_763 : vector<128xf32> to vector<1x128xf32>
    %add3A_765 = arith.addf %add3A_735, %broadcast_in_dim3A_764 : vector<1x128xf32>
    %mul3A_766 = arith.mulf %add3A_758, %add3A_758 : vector<2000x128xf32>
    %reduce_sum3A_767 = arith.constant dense<0.000000e+00> : vector<128xf32>
    %reduce_sum3A_768 = vector.multi_reduction <add>, %mul3A_766, %reduce_sum3A_767 [0] : vector<2000x128xf32> to vector<128xf32>
    %broadcast_in_dim3A_769 = vector.shape_cast %reduce_sum3A_768 : vector<128xf32> to vector<1x128xf32>
    %add3A_770 = arith.addf %add3A_740, %broadcast_in_dim3A_769 : vector<1x128xf32>
    %get3A_771 = arith.constant 8000 : index
    %get3A_772 = arith.constant 0 : index
    %get3A_773 = vector.load %arg12[%get3A_771, %get3A_772] : memref<10000x128xf32, #tpu.memory_space<vmem>>, vector<2000x128xf32>
    %mul3A_774 = vector.broadcast %mul3A_642 : vector<1x128xf32> to vector<2000x128xf32>
    %mul3A_775 = arith.mulf %get3A_773, %mul3A_774 : vector<2000x128xf32>
    %add3A_776 = vector.broadcast %sub3A_647 : vector<1x128xf32> to vector<2000x128xf32>
    %add3A_777 = arith.addf %mul3A_775, %add3A_776 : vector<2000x128xf32>
    %max3A_778 = arith.constant 0.000000e+00 : f32
    %max3A_779 = vector.broadcast %max3A_778 : f32 to vector<2000x128xf32>
    %max3A_780 = arith.maximumf %add3A_777, %max3A_779 : vector<2000x128xf32>
    %convert_element_type3A_781 = arith.truncf %max3A_780 : vector<2000x128xf32> to vector<2000x128xbf16>
    %dot_general3A_782 = arith.constant dense<0.000000e+00> : vector<2000x128xf32>
    %dot_general3A_783 = tpu.matmul %convert_element_type3A_781, %convert_element_type3A_7, %dot_general3A_782 {dimension_numbers = #tpu.dot_dimension_numbers<[1], [1], [0], [0], [0, 0, 1, 0], [], []>, transpose_lhs_hint = false} : vector<2000x128xbf16>, vector<128x128xbf16>, vector<2000x128xf32> -> vector<2000x128xf32>
    %get3A_784 = arith.constant 0 : index
    %get3A_785 = arith.constant 0 : index
    %get3A_786 = vector.load %arg8[%get3A_784, %get3A_785] : memref<1x128xf32, #tpu.memory_space<vmem>>, vector<1x128xf32>
    %add3A_787 = vector.broadcast %get3A_786 : vector<1x128xf32> to vector<2000x128xf32>
    %add3A_788 = arith.addf %dot_general3A_783, %add3A_787 : vector<2000x128xf32>
    %swap3A_789 = arith.constant 8000 : index
    %swap3A_790 = arith.constant 0 : index
    %swap3A_791 = vector.load %arg12[%swap3A_789, %swap3A_790] : memref<10000x128xf32, #tpu.memory_space<vmem>>, vector<2000x128xf32>
    tpu.vector_store %arg12[%swap3A_789, %swap3A_790], %add3A_788 {strides = array<i32>} : memref<10000x128xf32, #tpu.memory_space<vmem>>, vector<2000x128xf32>,
    %reduce_sum3A_792 = arith.constant dense<0.000000e+00> : vector<128xf32>
    %reduce_sum3A_793 = vector.multi_reduction <add>, %add3A_788, %reduce_sum3A_792 [0] : vector<2000x128xf32> to vector<128xf32>
    %broadcast_in_dim3A_794 = vector.shape_cast %reduce_sum3A_793 : vector<128xf32> to vector<1x128xf32>
    %add3A_795 = arith.addf %add3A_765, %broadcast_in_dim3A_794 : vector<1x128xf32>
    %mul3A_796 = arith.mulf %add3A_788, %add3A_788 : vector<2000x128xf32>
    %reduce_sum3A_797 = arith.constant dense<0.000000e+00> : vector<128xf32>
    %reduce_sum3A_798 = vector.multi_reduction <add>, %mul3A_796, %reduce_sum3A_797 [0] : vector<2000x128xf32> to vector<128xf32>
    %broadcast_in_dim3A_799 = vector.shape_cast %reduce_sum3A_798 : vector<128xf32> to vector<1x128xf32>
    %add3A_800 = arith.addf %add3A_770, %broadcast_in_dim3A_799 : vector<1x128xf32>
    %mul3A_801 = arith.constant 9.99999974E-5 : f32
    %mul3A_802 = vector.broadcast %mul3A_801 : f32 to vector<1x128xf32>
    %mul3A_803 = arith.mulf %add3A_795, %mul3A_802 : vector<1x128xf32>
    %mul3A_804 = arith.constant 9.99999974E-5 : f32
    %mul3A_805 = vector.broadcast %mul3A_804 : f32 to vector<1x128xf32>
    %mul3A_806 = arith.mulf %add3A_800, %mul3A_805 : vector<1x128xf32>
    %mul3A_807 = arith.mulf %mul3A_803, %mul3A_803 : vector<1x128xf32>
    %sub3A_808 = arith.subf %mul3A_806, %mul3A_807 : vector<1x128xf32>
    %get3A_809 = arith.constant 0 : index
    %get3A_810 = arith.constant 0 : index
    %get3A_811 = vector.load %arg9[%get3A_809, %get3A_810] : memref<1x128xf32, #tpu.memory_space<vmem>>, vector<1x128xf32>
    %add3A_812 = arith.constant 9.99999974E-6 : f32
    %add3A_813 = vector.broadcast %add3A_812 : f32 to vector<1x128xf32>
    %add3A_814 = arith.addf %sub3A_808, %add3A_813 : vector<1x128xf32>
    %rsqrt3A_815 = math.rsqrt %add3A_814 : vector<1x128xf32>
    %mul3A_816 = arith.mulf %get3A_811, %rsqrt3A_815 : vector<1x128xf32>
    %get3A_817 = arith.constant 0 : index
    %get3A_818 = arith.constant 0 : index
    %get3A_819 = vector.load %arg10[%get3A_817, %get3A_818] : memref<1x128xf32, #tpu.memory_space<vmem>>, vector<1x128xf32>
    %mul3A_820 = arith.mulf %mul3A_803, %mul3A_816 : vector<1x128xf32>
    %sub3A_821 = arith.subf %get3A_819, %mul3A_820 : vector<1x128xf32>
    %get3A_822 = arith.constant 0 : index
    %get3A_823 = arith.constant 0 : index
    %get3A_824 = vector.load %arg12[%get3A_822, %get3A_823] : memref<10000x128xf32, #tpu.memory_space<vmem>>, vector<2000x128xf32>
    %mul3A_825 = vector.broadcast %mul3A_816 : vector<1x128xf32> to vector<2000x128xf32>
    %mul3A_826 = arith.mulf %get3A_824, %mul3A_825 : vector<2000x128xf32>
    %add3A_827 = vector.broadcast %sub3A_821 : vector<1x128xf32> to vector<2000x128xf32>
    %add3A_828 = arith.addf %mul3A_826, %add3A_827 : vector<2000x128xf32>
    %max3A_829 = arith.constant 0.000000e+00 : f32
    %max3A_830 = vector.broadcast %max3A_829 : f32 to vector<2000x128xf32>
    %max3A_831 = arith.maximumf %add3A_828, %max3A_830 : vector<2000x128xf32>
    %swap3A_832 = arith.constant 0 : index
    %swap3A_833 = arith.constant 0 : index
    %swap3A_834 = arith.constant 0 : index
    %swap3A_835 = vector.load %arg15[%swap3A_832, %swap3A_833, %swap3A_834] : memref<2x2000x128xf32, #tpu.memory_space<vmem>>, vector<1x2000x128xf32>
    %swap3A_836 = vector.shape_cast %swap3A_835 : vector<1x2000x128xf32> to vector<2000x128xf32>
    %swap3A_837 = vector.shape_cast %max3A_831 : vector<2000x128xf32> to vector<1x2000x128xf32>
    tpu.vector_store %arg15[%swap3A_832, %swap3A_833, %swap3A_834], %swap3A_837 {strides = array<i32>} : memref<2x2000x128xf32, #tpu.memory_space<vmem>>, vector<1x2000x128xf32>,
    %dma_start3A_838 = arith.constant 0 : i32
    %dma_start3A_839 = arith.constant 0 : i32
    %dma_start3A_840 = tpu.memref_slice %arg18[%dma_start3A_839] : memref<2x!tpu.dma_semaphore, #tpu.memory_space<semaphore_mem>> -> memref<1x!tpu.dma_semaphore, #tpu.memory_space<semaphore_mem>>
    %dma_start3A_841 = tpu.memref_squeeze %dma_start3A_840 : memref<1x!tpu.dma_semaphore, #tpu.memory_space<semaphore_mem>> -> memref<!tpu.dma_semaphore, #tpu.memory_space<semaphore_mem>>
    %dma_start3A_842 = arith.constant 0 : i32
    %dma_start3A_843 = arith.constant 0 : i32
    %dma_start3A_844 = tpu.memref_slice %arg11[%dma_start3A_842, %dma_start3A_843] : memref<10000x128xf32, #tpu.memory_space<hbm>> -> memref<2000x128xf32, #tpu.memory_space<hbm>>
    %dma_start3A_845 = arith.constant 0 : i32
    %dma_start3A_846 = arith.constant 0 : i32
    %dma_start3A_847 = tpu.memref_slice %arg15[%dma_start3A_838, %dma_start3A_845, %dma_start3A_846] : memref<2x2000x128xf32, #tpu.memory_space<vmem>> -> memref<1x2000x128xf32, #tpu.memory_space<vmem>>
    %dma_start3A_848 = tpu.memref_squeeze %dma_start3A_847 : memref<1x2000x128xf32, #tpu.memory_space<vmem>> -> memref<2000x128xf32, #tpu.memory_space<vmem>>
    tpu.enqueue_dma source(%dma_start3A_848 : memref<2000x128xf32, #tpu.memory_space<vmem>>) target(%dma_start3A_844 : memref<2000x128xf32, #tpu.memory_space<hbm>>) target_semaphore(%dma_start3A_841 : memref<!tpu.dma_semaphore, #tpu.memory_space<semaphore_mem>>)
    %get3A_849 = arith.constant 2000 : index
    %get3A_850 = arith.constant 0 : index
    %get3A_851 = vector.load %arg12[%get3A_849, %get3A_850] : memref<10000x128xf32, #tpu.memory_space<vmem>>, vector<2000x128xf32>
    %mul3A_852 = vector.broadcast %mul3A_816 : vector<1x128xf32> to vector<2000x128xf32>
    %mul3A_853 = arith.mulf %get3A_851, %mul3A_852 : vector<2000x128xf32>
    %add3A_854 = vector.broadcast %sub3A_821 : vector<1x128xf32> to vector<2000x128xf32>
    %add3A_855 = arith.addf %mul3A_853, %add3A_854 : vector<2000x128xf32>
    %max3A_856 = arith.constant 0.000000e+00 : f32
    %max3A_857 = vector.broadcast %max3A_856 : f32 to vector<2000x128xf32>
    %max3A_858 = arith.maximumf %add3A_855, %max3A_857 : vector<2000x128xf32>
    %swap3A_859 = arith.constant 1 : index
    %swap3A_860 = arith.constant 0 : index
    %swap3A_861 = arith.constant 0 : index
    %swap3A_862 = vector.load %arg15[%swap3A_859, %swap3A_860, %swap3A_861] : memref<2x2000x128xf32, #tpu.memory_space<vmem>>, vector<1x2000x128xf32>
    %swap3A_863 = vector.shape_cast %swap3A_862 : vector<1x2000x128xf32> to vector<2000x128xf32>
    %swap3A_864 = vector.shape_cast %max3A_858 : vector<2000x128xf32> to vector<1x2000x128xf32>
    tpu.vector_store %arg15[%swap3A_859, %swap3A_860, %swap3A_861], %swap3A_864 {strides = array<i32>} : memref<2x2000x128xf32, #tpu.memory_space<vmem>>, vector<1x2000x128xf32>,
    %dma_start3A_865 = arith.constant 1 : i32
    %dma_start3A_866 = arith.constant 1 : i32
    %dma_start3A_867 = tpu.memref_slice %arg18[%dma_start3A_866] : memref<2x!tpu.dma_semaphore, #tpu.memory_space<semaphore_mem>> -> memref<1x!tpu.dma_semaphore, #tpu.memory_space<semaphore_mem>>
    %dma_start3A_868 = tpu.memref_squeeze %dma_start3A_867 : memref<1x!tpu.dma_semaphore, #tpu.memory_space<semaphore_mem>> -> memref<!tpu.dma_semaphore, #tpu.memory_space<semaphore_mem>>
    %dma_start3A_869 = arith.constant 2000 : i32
    %dma_start3A_870 = arith.constant 0 : i32
    %dma_start3A_871 = tpu.memref_slice %arg11[%dma_start3A_869, %dma_start3A_870] : memref<10000x128xf32, #tpu.memory_space<hbm>> -> memref<2000x128xf32, #tpu.memory_space<hbm>>
    %dma_start3A_872 = arith.constant 0 : i32
    %dma_start3A_873 = arith.constant 0 : i32
    %dma_start3A_874 = tpu.memref_slice %arg15[%dma_start3A_865, %dma_start3A_872, %dma_start3A_873] : memref<2x2000x128xf32, #tpu.memory_space<vmem>> -> memref<1x2000x128xf32, #tpu.memory_space<vmem>>
    %dma_start3A_875 = tpu.memref_squeeze %dma_start3A_874 : memref<1x2000x128xf32, #tpu.memory_space<vmem>> -> memref<2000x128xf32, #tpu.memory_space<vmem>>
    tpu.enqueue_dma source(%dma_start3A_875 : memref<2000x128xf32, #tpu.memory_space<vmem>>) target(%dma_start3A_871 : memref<2000x128xf32, #tpu.memory_space<hbm>>) target_semaphore(%dma_start3A_868 : memref<!tpu.dma_semaphore, #tpu.memory_space<semaphore_mem>>)
    %dma_wait3A_876 = arith.constant 0 : i32
    %dma_wait3A_877 = arith.constant 0 : i32
    %dma_wait3A_878 = tpu.memref_slice %arg18[%dma_wait3A_877] : memref<2x!tpu.dma_semaphore, #tpu.memory_space<semaphore_mem>> -> memref<1x!tpu.dma_semaphore, #tpu.memory_space<semaphore_mem>>
    %dma_wait3A_879 = tpu.memref_squeeze %dma_wait3A_878 : memref<1x!tpu.dma_semaphore, #tpu.memory_space<semaphore_mem>> -> memref<!tpu.dma_semaphore, #tpu.memory_space<semaphore_mem>>
    %dma_wait3A_880 = arith.constant 0 : i32
    %dma_wait3A_881 = arith.constant 0 : i32
    %dma_wait3A_882 = tpu.memref_slice %arg11[%dma_wait3A_880, %dma_wait3A_881] : memref<10000x128xf32, #tpu.memory_space<hbm>> -> memref<2000x128xf32, #tpu.memory_space<hbm>>
    %dma_wait3A_883 = arith.constant 0 : i32
    %dma_wait3A_884 = arith.constant 0 : i32
    %dma_wait3A_885 = tpu.memref_slice %arg15[%dma_wait3A_876, %dma_wait3A_883, %dma_wait3A_884] : memref<2x2000x128xf32, #tpu.memory_space<vmem>> -> memref<1x2000x128xf32, #tpu.memory_space<vmem>>
    %dma_wait3A_886 = tpu.memref_squeeze %dma_wait3A_885 : memref<1x2000x128xf32, #tpu.memory_space<vmem>> -> memref<2000x128xf32, #tpu.memory_space<vmem>>
    tpu.wait_dma2 semaphore(%dma_wait3A_879 : memref<!tpu.dma_semaphore, #tpu.memory_space<semaphore_mem>>) src(%dma_wait3A_886 : memref<2000x128xf32, #tpu.memory_space<vmem>>) dst(%dma_wait3A_882 : memref<2000x128xf32, #tpu.memory_space<hbm>>)
    %get3A_887 = arith.constant 4000 : index
    %get3A_888 = arith.constant 0 : index
    %get3A_889 = vector.load %arg12[%get3A_887, %get3A_888] : memref<10000x128xf32, #tpu.memory_space<vmem>>, vector<2000x128xf32>
    %mul3A_890 = vector.broadcast %mul3A_816 : vector<1x128xf32> to vector<2000x128xf32>
    %mul3A_891 = arith.mulf %get3A_889, %mul3A_890 : vector<2000x128xf32>
    %add3A_892 = vector.broadcast %sub3A_821 : vector<1x128xf32> to vector<2000x128xf32>
    %add3A_893 = arith.addf %mul3A_891, %add3A_892 : vector<2000x128xf32>
    %max3A_894 = arith.constant 0.000000e+00 : f32
    %max3A_895 = vector.broadcast %max3A_894 : f32 to vector<2000x128xf32>
    %max3A_896 = arith.maximumf %add3A_893, %max3A_895 : vector<2000x128xf32>
    %swap3A_897 = arith.constant 0 : index
    %swap3A_898 = arith.constant 0 : index
    %swap3A_899 = arith.constant 0 : index
    %swap3A_900 = vector.load %arg15[%swap3A_897, %swap3A_898, %swap3A_899] : memref<2x2000x128xf32, #tpu.memory_space<vmem>>, vector<1x2000x128xf32>
    %swap3A_901 = vector.shape_cast %swap3A_900 : vector<1x2000x128xf32> to vector<2000x128xf32>
    %swap3A_902 = vector.shape_cast %max3A_896 : vector<2000x128xf32> to vector<1x2000x128xf32>
    tpu.vector_store %arg15[%swap3A_897, %swap3A_898, %swap3A_899], %swap3A_902 {strides = array<i32>} : memref<2x2000x128xf32, #tpu.memory_space<vmem>>, vector<1x2000x128xf32>,
    %dma_start3A_903 = arith.constant 0 : i32
    %dma_start3A_904 = arith.constant 0 : i32
    %dma_start3A_905 = tpu.memref_slice %arg18[%dma_start3A_904] : memref<2x!tpu.dma_semaphore, #tpu.memory_space<semaphore_mem>> -> memref<1x!tpu.dma_semaphore, #tpu.memory_space<semaphore_mem>>
    %dma_start3A_906 = tpu.memref_squeeze %dma_start3A_905 : memref<1x!tpu.dma_semaphore, #tpu.memory_space<semaphore_mem>> -> memref<!tpu.dma_semaphore, #tpu.memory_space<semaphore_mem>>
    %dma_start3A_907 = arith.constant 4000 : i32
    %dma_start3A_908 = arith.constant 0 : i32
    %dma_start3A_909 = tpu.memref_slice %arg11[%dma_start3A_907, %dma_start3A_908] : memref<10000x128xf32, #tpu.memory_space<hbm>> -> memref<2000x128xf32, #tpu.memory_space<hbm>>
    %dma_start3A_910 = arith.constant 0 : i32
    %dma_start3A_911 = arith.constant 0 : i32
    %dma_start3A_912 = tpu.memref_slice %arg15[%dma_start3A_903, %dma_start3A_910, %dma_start3A_911] : memref<2x2000x128xf32, #tpu.memory_space<vmem>> -> memref<1x2000x128xf32, #tpu.memory_space<vmem>>
    %dma_start3A_913 = tpu.memref_squeeze %dma_start3A_912 : memref<1x2000x128xf32, #tpu.memory_space<vmem>> -> memref<2000x128xf32, #tpu.memory_space<vmem>>
    tpu.enqueue_dma source(%dma_start3A_913 : memref<2000x128xf32, #tpu.memory_space<vmem>>) target(%dma_start3A_909 : memref<2000x128xf32, #tpu.memory_space<hbm>>) target_semaphore(%dma_start3A_906 : memref<!tpu.dma_semaphore, #tpu.memory_space<semaphore_mem>>)
    %dma_wait3A_914 = arith.constant 1 : i32
    %dma_wait3A_915 = arith.constant 1 : i32
    %dma_wait3A_916 = tpu.memref_slice %arg18[%dma_wait3A_915] : memref<2x!tpu.dma_semaphore, #tpu.memory_space<semaphore_mem>> -> memref<1x!tpu.dma_semaphore, #tpu.memory_space<semaphore_mem>>
    %dma_wait3A_917 = tpu.memref_squeeze %dma_wait3A_916 : memref<1x!tpu.dma_semaphore, #tpu.memory_space<semaphore_mem>> -> memref<!tpu.dma_semaphore, #tpu.memory_space<semaphore_mem>>
    %dma_wait3A_918 = arith.constant 2000 : i32
    %dma_wait3A_919 = arith.constant 0 : i32
    %dma_wait3A_920 = tpu.memref_slice %arg11[%dma_wait3A_918, %dma_wait3A_919] : memref<10000x128xf32, #tpu.memory_space<hbm>> -> memref<2000x128xf32, #tpu.memory_space<hbm>>
    %dma_wait3A_921 = arith.constant 0 : i32
    %dma_wait3A_922 = arith.constant 0 : i32
    %dma_wait3A_923 = tpu.memref_slice %arg15[%dma_wait3A_914, %dma_wait3A_921, %dma_wait3A_922] : memref<2x2000x128xf32, #tpu.memory_space<vmem>> -> memref<1x2000x128xf32, #tpu.memory_space<vmem>>
    %dma_wait3A_924 = tpu.memref_squeeze %dma_wait3A_923 : memref<1x2000x128xf32, #tpu.memory_space<vmem>> -> memref<2000x128xf32, #tpu.memory_space<vmem>>
    tpu.wait_dma2 semaphore(%dma_wait3A_917 : memref<!tpu.dma_semaphore, #tpu.memory_space<semaphore_mem>>) src(%dma_wait3A_924 : memref<2000x128xf32, #tpu.memory_space<vmem>>) dst(%dma_wait3A_920 : memref<2000x128xf32, #tpu.memory_space<hbm>>)
    %get3A_925 = arith.constant 6000 : index
    %get3A_926 = arith.constant 0 : index
    %get3A_927 = vector.load %arg12[%get3A_925, %get3A_926] : memref<10000x128xf32, #tpu.memory_space<vmem>>, vector<2000x128xf32>
    %mul3A_928 = vector.broadcast %mul3A_816 : vector<1x128xf32> to vector<2000x128xf32>
    %mul3A_929 = arith.mulf %get3A_927, %mul3A_928 : vector<2000x128xf32>
    %add3A_930 = vector.broadcast %sub3A_821 : vector<1x128xf32> to vector<2000x128xf32>
    %add3A_931 = arith.addf %mul3A_929, %add3A_930 : vector<2000x128xf32>
    %max3A_932 = arith.constant 0.000000e+00 : f32
    %max3A_933 = vector.broadcast %max3A_932 : f32 to vector<2000x128xf32>
    %max3A_934 = arith.maximumf %add3A_931, %max3A_933 : vector<2000x128xf32>
    %swap3A_935 = arith.constant 1 : index
    %swap3A_936 = arith.constant 0 : index
    %swap3A_937 = arith.constant 0 : index
    %swap3A_938 = vector.load %arg15[%swap3A_935, %swap3A_936, %swap3A_937] : memref<2x2000x128xf32, #tpu.memory_space<vmem>>, vector<1x2000x128xf32>
    %swap3A_939 = vector.shape_cast %swap3A_938 : vector<1x2000x128xf32> to vector<2000x128xf32>
    %swap3A_940 = vector.shape_cast %max3A_934 : vector<2000x128xf32> to vector<1x2000x128xf32>
    tpu.vector_store %arg15[%swap3A_935, %swap3A_936, %swap3A_937], %swap3A_940 {strides = array<i32>} : memref<2x2000x128xf32, #tpu.memory_space<vmem>>, vector<1x2000x128xf32>,
    %dma_start3A_941 = arith.constant 1 : i32
    %dma_start3A_942 = arith.constant 1 : i32
    %dma_start3A_943 = tpu.memref_slice %arg18[%dma_start3A_942] : memref<2x!tpu.dma_semaphore, #tpu.memory_space<semaphore_mem>> -> memref<1x!tpu.dma_semaphore, #tpu.memory_space<semaphore_mem>>
    %dma_start3A_944 = tpu.memref_squeeze %dma_start3A_943 : memref<1x!tpu.dma_semaphore, #tpu.memory_space<semaphore_mem>> -> memref<!tpu.dma_semaphore, #tpu.memory_space<semaphore_mem>>
    %dma_start3A_945 = arith.constant 6000 : i32
    %dma_start3A_946 = arith.constant 0 : i32
    %dma_start3A_947 = tpu.memref_slice %arg11[%dma_start3A_945, %dma_start3A_946] : memref<10000x128xf32, #tpu.memory_space<hbm>> -> memref<2000x128xf32, #tpu.memory_space<hbm>>
    %dma_start3A_948 = arith.constant 0 : i32
    %dma_start3A_949 = arith.constant 0 : i32
    %dma_start3A_950 = tpu.memref_slice %arg15[%dma_start3A_941, %dma_start3A_948, %dma_start3A_949] : memref<2x2000x128xf32, #tpu.memory_space<vmem>> -> memref<1x2000x128xf32, #tpu.memory_space<vmem>>
    %dma_start3A_951 = tpu.memref_squeeze %dma_start3A_950 : memref<1x2000x128xf32, #tpu.memory_space<vmem>> -> memref<2000x128xf32, #tpu.memory_space<vmem>>
    tpu.enqueue_dma source(%dma_start3A_951 : memref<2000x128xf32, #tpu.memory_space<vmem>>) target(%dma_start3A_947 : memref<2000x128xf32, #tpu.memory_space<hbm>>) target_semaphore(%dma_start3A_944 : memref<!tpu.dma_semaphore, #tpu.memory_space<semaphore_mem>>)
    %dma_wait3A_952 = arith.constant 0 : i32
    %dma_wait3A_953 = arith.constant 0 : i32
    %dma_wait3A_954 = tpu.memref_slice %arg18[%dma_wait3A_953] : memref<2x!tpu.dma_semaphore, #tpu.memory_space<semaphore_mem>> -> memref<1x!tpu.dma_semaphore, #tpu.memory_space<semaphore_mem>>
    %dma_wait3A_955 = tpu.memref_squeeze %dma_wait3A_954 : memref<1x!tpu.dma_semaphore, #tpu.memory_space<semaphore_mem>> -> memref<!tpu.dma_semaphore, #tpu.memory_space<semaphore_mem>>
    %dma_wait3A_956 = arith.constant 4000 : i32
    %dma_wait3A_957 = arith.constant 0 : i32
    %dma_wait3A_958 = tpu.memref_slice %arg11[%dma_wait3A_956, %dma_wait3A_957] : memref<10000x128xf32, #tpu.memory_space<hbm>> -> memref<2000x128xf32, #tpu.memory_space<hbm>>
    %dma_wait3A_959 = arith.constant 0 : i32
    %dma_wait3A_960 = arith.constant 0 : i32
    %dma_wait3A_961 = tpu.memref_slice %arg15[%dma_wait3A_952, %dma_wait3A_959, %dma_wait3A_960] : memref<2x2000x128xf32, #tpu.memory_space<vmem>> -> memref<1x2000x128xf32, #tpu.memory_space<vmem>>
    %dma_wait3A_962 = tpu.memref_squeeze %dma_wait3A_961 : memref<1x2000x128xf32, #tpu.memory_space<vmem>> -> memref<2000x128xf32, #tpu.memory_space<vmem>>
    tpu.wait_dma2 semaphore(%dma_wait3A_955 : memref<!tpu.dma_semaphore, #tpu.memory_space<semaphore_mem>>) src(%dma_wait3A_962 : memref<2000x128xf32, #tpu.memory_space<vmem>>) dst(%dma_wait3A_958 : memref<2000x128xf32, #tpu.memory_space<hbm>>)
    %get3A_963 = arith.constant 8000 : index
    %get3A_964 = arith.constant 0 : index
    %get3A_965 = vector.load %arg12[%get3A_963, %get3A_964] : memref<10000x128xf32, #tpu.memory_space<vmem>>, vector<2000x128xf32>
    %mul3A_966 = vector.broadcast %mul3A_816 : vector<1x128xf32> to vector<2000x128xf32>
    %mul3A_967 = arith.mulf %get3A_965, %mul3A_966 : vector<2000x128xf32>
    %add3A_968 = vector.broadcast %sub3A_821 : vector<1x128xf32> to vector<2000x128xf32>
    %add3A_969 = arith.addf %mul3A_967, %add3A_968 : vector<2000x128xf32>
    %max3A_970 = arith.constant 0.000000e+00 : f32
    %max3A_971 = vector.broadcast %max3A_970 : f32 to vector<2000x128xf32>
    %max3A_972 = arith.maximumf %add3A_969, %max3A_971 : vector<2000x128xf32>
    %swap3A_973 = arith.constant 0 : index
    %swap3A_974 = arith.constant 0 : index
    %swap3A_975 = arith.constant 0 : index
    %swap3A_976 = vector.load %arg15[%swap3A_973, %swap3A_974, %swap3A_975] : memref<2x2000x128xf32, #tpu.memory_space<vmem>>, vector<1x2000x128xf32>
    %swap3A_977 = vector.shape_cast %swap3A_976 : vector<1x2000x128xf32> to vector<2000x128xf32>
    %swap3A_978 = vector.shape_cast %max3A_972 : vector<2000x128xf32> to vector<1x2000x128xf32>
    tpu.vector_store %arg15[%swap3A_973, %swap3A_974, %swap3A_975], %swap3A_978 {strides = array<i32>} : memref<2x2000x128xf32, #tpu.memory_space<vmem>>, vector<1x2000x128xf32>,
    %dma_start3A_979 = arith.constant 0 : i32
    %dma_start3A_980 = arith.constant 0 : i32
    %dma_start3A_981 = tpu.memref_slice %arg18[%dma_start3A_980] : memref<2x!tpu.dma_semaphore, #tpu.memory_space<semaphore_mem>> -> memref<1x!tpu.dma_semaphore, #tpu.memory_space<semaphore_mem>>
    %dma_start3A_982 = tpu.memref_squeeze %dma_start3A_981 : memref<1x!tpu.dma_semaphore, #tpu.memory_space<semaphore_mem>> -> memref<!tpu.dma_semaphore, #tpu.memory_space<semaphore_mem>>
    %dma_start3A_983 = arith.constant 8000 : i32
    %dma_start3A_984 = arith.constant 0 : i32
    %dma_start3A_985 = tpu.memref_slice %arg11[%dma_start3A_983, %dma_start3A_984] : memref<10000x128xf32, #tpu.memory_space<hbm>> -> memref<2000x128xf32, #tpu.memory_space<hbm>>
    %dma_start3A_986 = arith.constant 0 : i32
    %dma_start3A_987 = arith.constant 0 : i32
    %dma_start3A_988 = tpu.memref_slice %arg15[%dma_start3A_979, %dma_start3A_986, %dma_start3A_987] : memref<2x2000x128xf32, #tpu.memory_space<vmem>> -> memref<1x2000x128xf32, #tpu.memory_space<vmem>>
    %dma_start3A_989 = tpu.memref_squeeze %dma_start3A_988 : memref<1x2000x128xf32, #tpu.memory_space<vmem>> -> memref<2000x128xf32, #tpu.memory_space<vmem>>
    tpu.enqueue_dma source(%dma_start3A_989 : memref<2000x128xf32, #tpu.memory_space<vmem>>) target(%dma_start3A_985 : memref<2000x128xf32, #tpu.memory_space<hbm>>) target_semaphore(%dma_start3A_982 : memref<!tpu.dma_semaphore, #tpu.memory_space<semaphore_mem>>)
    %dma_wait3A_990 = arith.constant 0 : i32
    %dma_wait3A_991 = arith.constant 0 : i32
    %dma_wait3A_992 = tpu.memref_slice %arg18[%dma_wait3A_991] : memref<2x!tpu.dma_semaphore, #tpu.memory_space<semaphore_mem>> -> memref<1x!tpu.dma_semaphore, #tpu.memory_space<semaphore_mem>>
    %dma_wait3A_993 = tpu.memref_squeeze %dma_wait3A_992 : memref<1x!tpu.dma_semaphore, #tpu.memory_space<semaphore_mem>> -> memref<!tpu.dma_semaphore, #tpu.memory_space<semaphore_mem>>
    %dma_wait3A_994 = arith.constant 8000 : i32
    %dma_wait3A_995 = arith.constant 0 : i32
    %dma_wait3A_996 = tpu.memref_slice %arg11[%dma_wait3A_994, %dma_wait3A_995] : memref<10000x128xf32, #tpu.memory_space<hbm>> -> memref<2000x128xf32, #tpu.memory_space<hbm>>
    %dma_wait3A_997 = arith.constant 0 : i32
    %dma_wait3A_998 = arith.constant 0 : i32
    %dma_wait3A_999 = tpu.memref_slice %arg15[%dma_wait3A_990, %dma_wait3A_997, %dma_wait3A_998] : memref<2x2000x128xf32, #tpu.memory_space<vmem>> -> memref<1x2000x128xf32, #tpu.memory_space<vmem>>
    %dma_wait3A_1000 = tpu.memref_squeeze %dma_wait3A_999 : memref<1x2000x128xf32, #tpu.memory_space<vmem>> -> memref<2000x128xf32, #tpu.memory_space<vmem>>
    tpu.wait_dma2 semaphore(%dma_wait3A_993 : memref<!tpu.dma_semaphore, #tpu.memory_space<semaphore_mem>>) src(%dma_wait3A_1000 : memref<2000x128xf32, #tpu.memory_space<vmem>>) dst(%dma_wait3A_996 : memref<2000x128xf32, #tpu.memory_space<hbm>>)
    %dma_wait3A_1001 = arith.constant 1 : i32
    %dma_wait3A_1002 = arith.constant 1 : i32
    %dma_wait3A_1003 = tpu.memref_slice %arg18[%dma_wait3A_1002] : memref<2x!tpu.dma_semaphore, #tpu.memory_space<semaphore_mem>> -> memref<1x!tpu.dma_semaphore, #tpu.memory_space<semaphore_mem>>
    %dma_wait3A_1004 = tpu.memref_squeeze %dma_wait3A_1003 : memref<1x!tpu.dma_semaphore, #tpu.memory_space<semaphore_mem>> -> memref<!tpu.dma_semaphore, #tpu.memory_space<semaphore_mem>>
    %dma_wait3A_1005 = arith.constant 6000 : i32
    %dma_wait3A_1006 = arith.constant 0 : i32
    %dma_wait3A_1007 = tpu.memref_slice %arg11[%dma_wait3A_1005, %dma_wait3A_1006] : memref<10000x128xf32, #tpu.memory_space<hbm>> -> memref<2000x128xf32, #tpu.memory_space<hbm>>
    %dma_wait3A_1008 = arith.constant 0 : i32
    %dma_wait3A_1009 = arith.constant 0 : i32
    %dma_wait3A_1010 = tpu.memref_slice %arg15[%dma_wait3A_1001, %dma_wait3A_1008, %dma_wait3A_1009] : memref<2x2000x128xf32, #tpu.memory_space<vmem>> -> memref<1x2000x128xf32, #tpu.memory_space<vmem>>
    %dma_wait3A_1011 = tpu.memref_squeeze %dma_wait3A_1010 : memref<1x2000x128xf32, #tpu.memory_space<vmem>> -> memref<2000x128xf32, #tpu.memory_space<vmem>>
    tpu.wait_dma2 semaphore(%dma_wait3A_1004 : memref<!tpu.dma_semaphore, #tpu.memory_space<semaphore_mem>>) src(%dma_wait3A_1011 : memref<2000x128xf32, #tpu.memory_space<vmem>>) dst(%dma_wait3A_1007 : memref<2000x128xf32, #tpu.memory_space<hbm>>)
    return
  }
}

</mosaic_0001>

<sc_bundles>
// kernel: kernel.4.cloned.1.call-start
scs
__scs_entry_jumppad:
0x0: {  	(pc) =	sbr.rel $0x88, $3  }
0x1: {  	(tag) =	ssettag $0x0;
	lr =	simm.s32 $0x1  }
0x2: {  	[smem:$0x3F96] =	sst lr;
	_ =	strace $0xD0000000  }
0x3: {  	_ = 	snop  }
0x4: {  	_ = 	snop  }
0x5: {  	_ = 	snop  }
0x6: {  	_ = 	snop  }
0x7: {  	_ = 	snop  }
__scs_overlays_trampoline_lowered:
0x8: {  	[smem:$0x3FA5] =	sst s0  }
0x9: {  	[smem:$0x3FA6] =	sst s1  }
0xa: {  	[smem:$0x3FA7] =	sst s2  }
0xb: {  	[smem:$0x3FA8] =	sst s3  }
0xc: {  	[smem:$0x3FA9] =	sst s4  }
0xd: {  	[smem:$0x3FAA] =	sst s5  }
0xe: {  	[smem:$0x3FAB] =	sst s6  }
0xf: {  	[smem:$0x3FAC] =	sst s7  }
0x10: {  	[smem:$0x3FAD] =	sst s8  }
0x11: {  	[smem:$0x3FAE] =	sst s9;
	s0 =	simm.s32 @!p0 $0x0  }
0x12: {  	s1 =	sld [smem:$0x3F94];
	s0 =	simm.s32 @p0 $0x1  }
0x13: {  	[smem:$0x3FAF] =	sst s0;
	s0 =	simm.s32 @!p1 $0x0  }
0x14: {  	s2 =	sld [smem:$0x3F93];
	s0 =	simm.s32 @p1 $0x1  }
0x15: {  	[smem:$0x3FB0] =	sst s0;
	s0 =	simm.s32 @!p2 $0x0  }
0x16: {  	s3 =	sld [smem:$0x3FDB];
	s0 =	simm.s32 @p2 $0x1  }
0x17: {  	s4 =	simm.s32 $0x1BF5;
	[smem:$0x3FB2] =	sst s0  }
0x18: {  	s0 =	sld [smem:$0x3F95];
	_ =	swait.ge [sflag:s4], $0x0  }
0x19: {  	s7 =	sld [smem:$0x3F96]  }
0x1a: {  	s8 =	sadd.s32 $0xFFFFE003, lr  }
0x1b: {  	s9 =	sadd.s32 $0xFFFFFEF7, lr;
	s5 =	simm.s32 $0xFFFFFFFF;
	p2 =	slt.u32 s8, $0xFFFFF086  }
0x1c: {  	p1 =	slt.u32 s9, $0xF7A;
	s5 =	simm.s32 @!p2 $0x0  }
0x1d: {  	s5 =	simm.s32 @p1 $0x1;
	p0 =	seq.s32 s7, s2  }
0x1e: {  	s7 =	smul.u32 @!p0 $0xF7A, s2;
	p2 =	seq.s32 @!p0 s5, $0x0  }
0x1f: {  	s9 =	smul.u32 $0xF7A, s1;
	s8 =	simm.s32 @!p0 $0x1BF5;
	p2 =	por !p2, p0  }
0x20: {  	[sflag:s8] =	ssyncset.s32 @!p0 $0xFFFFF086;
	s6 =	sadd.s32 @!p0 s3, s7;
	s7 =	simm.s32 @!p0 $0x108  }
0x21: {  	s3 =	sadd.s32 s3, s9;
	s6 =	sadd.s32 @!p0 $0x88, s6;
	s7 =	simm.s32 @p2 $0x1082  }
0x22: {  	[simem:s7], [sflag:s8] =	dma.local @!p0 [hbm:s6], $0xF7A  }
0x23: {  	s9 =	sor.u32 $0xD0000000, s2;
	s6 =	simm.s32 $0x108;
	_ =	swait.ge @!p0 [sflag:s8], $0x0  }
0x24: {  	s3 =	sadd.s32 $0x88, s3;
	s6 =	simm.s32 @!p1 $0x1082;
	[sflag:s4] =	ssyncset.s32 $0xFFFFF086  }
0x25: {  	[simem:s6], [sflag:s4] =	dma.local [hbm:s3], $0xF7A  }
0x26: {  	[smem:$0x3F96] =	sst s1;
	(tag) =	ssettag s2;
	_ =	strace s9  }
0x27: {  	s1 =	sld [smem:$0x3FA6]  }
0x28: {  	s2 =	sld [smem:$0x3FA7]  }
0x29: {  	s4 =	sld [smem:$0x3FA9]  }
0x2a: {  	p0 =	seq.s32 s5, $0x0;
	s5 =	sld [smem:$0x3FAA]  }
0x2b: {  	s6 =	sld [smem:$0x3FAB]  }
0x2c: {  	s7 =	sld [smem:$0x3FAC]  }
0x2d: {  	s3 =	simm.s32 $0x108;
	s8 =	sld [smem:$0x3FAD]  }
0x2e: {  	s3 =	simm.s32 @!p0 $0x1082;
	s9 =	sld [smem:$0x3FAE]  }
0x2f: {  	lr =	sadd.s32 s0, s3;
	s0 =	sld [smem:$0x3FA5]  }
0x30: {  	s3 =	sld [smem:$0x3FA8]  }
0x31: {  	[smem:$0x3FB1] =	sst s10  }
0x32: {  	s10 =	sld [smem:$0x3FAF];
	_ =	sdelay $0x3  }
0x33: {  	p0 =	seq.s32 s10, $0x1;
	s10 =	sld [smem:$0x3FB1];
	_ =	sdelay $0x3  }
0x34: {  	[smem:$0x3FB1] =	sst s10  }
0x35: {  	s10 =	sld [smem:$0x3FB0];
	_ =	sdelay $0x3  }
0x36: {  	p1 =	seq.s32 s10, $0x1;
	s10 =	sld [smem:$0x3FB1];
	_ =	sdelay $0x3  }
0x37: {  	[smem:$0x3FB1] =	sst s10  }
0x38: {  	s10 =	sld [smem:$0x3FB2]  }
0x39: {  	_ = 	snop;
	(pc) =	sbr.ind lr, $3  }
0x3a: {  	_ = 	snop  }
0x3b: {  	_ = 	snop  }
0x3c: {  	p2 =	seq.s32 s10, $0x1;
	s10 =	sld [smem:$0x3FB1]  }
0x3d: {  	_ =	shalt  }
0x3e: {  	_ =	shalt  }
0x3f: {  	_ =	shalt  }
0x40: {  	_ =	shalt  }
0x41: {  	_ =	shalt  }
0x42: {  	_ =	shalt  }
0x43: {  	_ =	shalt  }
0x44: {  	_ =	shalt  }
0x45: {  	_ =	shalt  }
0x46: {  	_ =	shalt  }
0x47: {  	_ =	shalt  }
0x48: {  	_ =	shalt  }
0x49: {  	_ =	shalt  }
0x4a: {  	_ =	shalt  }
0x4b: {  	_ =	shalt  }
0x4c: {  	_ =	shalt  }
0x4d: {  	_ =	shalt  }
0x4e: {  	_ =	shalt  }
0x4f: {  	_ =	shalt  }
0x50: {  	_ =	shalt  }
0x51: {  	_ =	shalt  }
0x52: {  	_ =	shalt  }
0x53: {  	_ =	shalt  }
0x54: {  	_ =	shalt  }
0x55: {  	_ =	shalt  }
0x56: {  	_ =	shalt  }
0x57: {  	_ =	shalt  }
0x58: {  	_ =	shalt  }
0x59: {  	_ =	shalt  }
0x5a: {  	_ =	shalt  }
0x5b: {  	_ =	shalt  }
0x5c: {  	_ =	shalt  }
0x5d: {  	_ =	shalt  }
0x5e: {  	_ =	shalt  }
0x5f: {  	_ =	shalt  }
0x60: {  	_ =	shalt  }
0x61: {  	_ =	shalt  }
0x62: {  	_ =	shalt  }
0x63: {  	_ =	shalt  }
0x64: {  	_ =	shalt  }
0x65: {  	_ =	shalt  }
0x66: {  	_ =	shalt  }
0x67: {  	_ =	shalt  }
0x68: {  	_ =	shalt  }
0x69: {  	_ =	shalt  }
0x6a: {  	_ =	shalt  }
0x6b: {  	_ =	shalt  }
0x6c: {  	_ =	shalt  }
0x6d: {  	_ =	shalt  }
0x6e: {  	_ =	shalt  }
0x6f: {  	_ =	shalt  }
0x70: {  	_ =	shalt  }
0x71: {  	_ =	shalt  }
0x72: {  	_ =	shalt  }
0x73: {  	_ =	shalt  }
0x74: {  	_ =	shalt  }
0x75: {  	_ =	shalt  }
0x76: {  	_ =	shalt  }
0x77: {  	_ =	shalt  }
0x78: {  	_ =	shalt  }
0x79: {  	_ =	shalt  }
0x7a: {  	_ =	shalt  }
0x7b: {  	_ =	shalt  }
0x7c: {  	_ =	shalt  }
0x7d: {  	_ =	shalt  }
0x7e: {  	_ =	shalt  }
0x7f: {  	_ =	shalt  }
0x80: {  	_ =	shalt  }
0x81: {  	_ =	shalt  }
0x82: {  	_ =	shalt  }
0x83: {  	_ =	shalt  }
0x84: {  	_ =	shalt  }
0x85: {  	_ =	shalt  }
0x86: {  	_ =	shalt  }
0x87: {  	_ =	shalt  }
.Lfunc_end0:
.L_simem_size_0:
called_computation_lowered:
.L_overlay_start_0:
0x88: {  	s2 =	sld [smem:$0x3FD9]  }
0x89: {  	s3 =	sld [smem:$0x3FFE];
	_ =	sdelay $0x1  }
0x8a: {  	s1 =	srdreg.scid  }
0x8b: {  	s0 =	sand.u32 $0x1, s1  }
0x8c: {  	s17 =	sshll.u32 s0, $0xA;
	s2 =	sadd.s32 s3, s2  }
0x8d: {  	s2 =	sadd.s32 s2, s17  }
0x8e: {  	[smem:$0x3FBD] =	sst s2  }
0x8f: {  	_ = 	snop  }
0x90: {  	s2 =	sld [smem:$0x3FC9]  }
0x91: {  	s18 =	sld [smem:$0x3FD0];
	(tm) =	ssettm $0x1  }
0x92: {  	s4 =	sld [smem:$0x3FFB];
	_ =	sdelay $0x3  }
0x93: {  	_ =	strace s4  }
0x94: {  	s4 =	sld [smem:$0x3FFC];
	_ =	sdelay $0x3  }
0x95: {  	_ =	strace s4  }
0x96: {  	s4 =	sld [smem:$0x3FFD];
	_ =	sdelay $0x3  }
0x97: {  	_ =	strace s4  }
0x98: {  	_ =	strace $0x8FFFFFFF  }
0x99: {  	s19 =	sld [smem:$0x3FDB];
	_ =	sdelay $0x1  }
0x9a: {  	s5 =	simm.s32 $_scs_section_size  }
0x9b: {  	s6 =	simm.s32 $_size__tile_overlayer_lowered;
	s7 =	simm.s32 $_tile_overlayer_lowered  }
0x9c: {  	s22 =	simm.s32 $0x1BFF;
	s21 =	sshll.u32 s7, $0x1;
	s4 =	sadd.s32 s5, s19  }
0x9d: {  	s8 =	simm.s32 $0x0;
	s20 =	sshll.u32 s6, $0x1;
	s6 =	sadd.s32 s21, s4  }
0x9e: {  	[timem:s8], [sflag:s22] =	dma.local [hbm:s6], s20  }
0x9f: {  	_ =	swait.ge [sflag:s22], s20  }
0xa0: {  	s5 =	ssub.s32 $0x0, s20;
	[sflag:s22] =	ssyncset.done $0x0  }
0xa1: {  	[sflag:s22] =	ssyncadd.s32 s5;
	_ =	sdelay $0x1  }
0xa2: {  	s23 =	simm.s32 $0x1B8B  }
0xa3: {  	_ =	swait.ge [sflag:s23], $0x1  }
0xa4: {  	[sflag:s23] =	ssyncset.done $0x0  }
0xa5: {  	s25 =	simm.s32 $0x1B8E;
	s24 =	sld [smem:$0x3FFE];
	[sflag:s23] =	ssyncadd.s32 $0xFFFFFFFF  }
0xa6: {  	s26 =	simm.s32 $execute0_lowered;
	[smem:$0x3FD2] =	sst s25  }
0xa7: {  	s6 =	sshll.u32 s26, $0x1;
	_ =	strace $0x80000046;
	[dreg:$0x1] =	wrdreg $0xFFFFFFFF  }
0xa8: {  	s28 =	simm.s32 $_size_execute0_lowered;
	s4 =	sadd.s32 s4, s6;
	[dreg:$0x0] =	wrdreg $0x0  }
0xa9: {  	s6 =	sshll.u32 s28, $0x1;
	[dreg:$0x2] =	wrdreg s4  }
0xaa: {  	[dreg:$0x3] =	wrdreg s6  }
0xab: {  	[dreg:$0x4] =	wrdreg $0xC0  }
0xac: {  	_ =	task [dreg:s8], $0x5FFFF  }
0xad: {  	[dreg:$0x1] =	wrdreg $0xFFFFFFFF  }
0xae: {  	[dreg:$0x0] =	wrdreg $0x60  }
0xaf: {  	[dreg:$0x2] =	wrdreg s2  }
0xb0: {  	[dreg:$0x3] =	wrdreg s24  }
0xb1: {  	[dreg:$0x4] =	wrdreg s18  }
0xb2: {  	[dreg:$0x5] =	wrdreg $0x0  }
0xb3: {  	[dreg:$0x6] =	wrdreg $0x9  }
0xb4: {  	_ =	task.clear_ibuf [dreg:s8], $0x7FFFF;
	_ =	strace $0x90000046  }
0xb5: {  	s29 =	simm.s32 $0x9;
	_ =	strace $0x80000048  }
0xb6: {  	_ =	swait.ge [sflag:s29], $0x1  }
0xb7: {  	[sflag:s29] =	ssyncadd.s32 $0xFFFFFFFF  }
0xb8: {  	_ =	strace $0x90000048  }
0xb9: {  	_ =	sfence  }
0xba: {  	s30 =	sld [smem:$0x0];
	_ =	sdelay $0x2  }
0xbb: {  	s31 =	sshll.u32 s1, $0xD;
	s1 =	sshrl.u32 s1, $0x2  }
0xbc: {  	s3 =	sand.u32 $0x4000, s31;
	s1 =	sadd.s32 s1, s30  }
0xbd: {  	s0 =	sor.u32 s3, s0;
	s1 =	sshll.u32 s1, $0x11  }
0xbe: {  	s0 =	sor.u32 s1, s0  }
0xbf: {  	s0 =	sadd.s32 $0x8F2B, s0  }
0xc0: {  	[sflag:s0] =	ssyncadd.remote.s32 $0x1  }
0xc1: {  	_ =	sfence.sel $0xFFFF  }
0xc2: {  	[dreg:$0x0] =	wrdreg $0xFFFFFFFF;
	(pc) =	sbr.abs _section_cstart, $3  }
0xc3: {  	[dreg:$0x1] =	wrdreg $0xFFFFFFFF  }
0xc4: {  	_ =	task.clear_ibuf [dreg:s8], $0x2FFFF;
	_ =	strace $0x9FFFFFFF  }
0xc5: {  	(tm) =	ssettm $0x7FFFFFFF  }
tec
execute0_lowered:
.L_overlay_start_1:
0x0: {  	(tag) =	ssettag $0x1  }
0x1: {  	s1 =	rddreg [dreg:$0x0]  }
0x2: {  	s0 =	rddreg [dreg:$0x1]  }
0x3: {  	s2 =	rddreg [dreg:$0x2]  }
0x4: {  	s3 =	srdreg.scid;
	s10 =	stileid.u32;
	s11 =	simm.s32 $0x0  }
0x5: {  	s19 =	simm.s32 $0x14000;
	s21 =	simm.s32 $0x1A780;
	s22 =	simm.s32 $0x5  }
0x6: {  	s23 =	simm.s32 $0x3;
	s28 =	simm.s32 $0x1CF80;
	s29 =	simm.s32 $0x1  }
0x7: {  	s30 =	simm.s32 $0x2;
	s17 =	simm.s32 $0x0;
	s9 =	smul.u32 $0x14000, s10  }
0x8: {  	s4 =	sand.u32 $0x1, s3;
	s6 =	sshrl.u32 s10, $0x2;
	s25 =	smul.u32 $0x50000, s10  }
0x9: {  	s5 =	sshll.u32 s10, $0x1;
	s3 =	rddreg [dreg:$0x3];
	s6 =	smul.u32 $0x13C00, s6  }
0xa: {  	[smem:$0x7FF] =	sst s11;
	s5 =	sor.u32 s4, s5;
	s8 =	smul.u32 $0x140000, s4  }
0xb: {  	_ =	strace $0x80000047;
	s4 =	ssub.s32 $0x2, s4;
	s7 =	sshll.u32 s5, $0x7  }
0xc: {  	s26 =	sshrl.u32 s4, $0x1;
	s31 =	sshll.u32 s5, $0xB;
	s7 =	sand.u32 $0x380, s7  }
0xd: {  	s24 =	sadd.s32 s9, s8;
	s4 =	ssub.s32 s4, s26;
	s8 =	sshrl.u32 s25, $0x2  }
0xe: {  	s25 =	simm.s32 $0x50;
	s6 =	sor.u32 s6, s7;
	s7 =	sshrl.u32 s24, $0x3  }
0xf: {  	s9 =	smax.u32 s4, $0x1;
	s24 =	simm.s32 $0x4;
	s6 =	sshrl.u32 s6, $0x3  }
0x10: {  	s4 =	simm.s32 $0x1A500;
	s6 =	sadd.s32 s6, s0;
	s0 =	sadd.s32 s7, s0  }
0x11: {  	s7 =	sadd.s32 s8, s3;
	s5 =	sadd.s32 $0x1600, s6;
	s6 =	sadd.s32 s2, s31  }
0x12: {  	s8 =	sadd.s32 $0xB400, s0;
	s10 =	sadd.s32 $0x2800, s7;
	s11 =	sadd.s32 $0x5000, s7  }
0x13: {  	s12 =	sadd.s32 $0x7800, s7;
	s13 =	sadd.s32 $0xA000, s7;
	s14 =	sadd.s32 $0xC800, s7  }
0x14: {  	v0 =	vimm.f32 $0.0e+00;
	s15 =	sadd.s32 $0xF000, s7;
	s16 =	sadd.s32 $0x11800, s7;
	s0 =	simm.s32 $0x1A580  }
.LBB2_1:
0x15: {  	s2 =	simm.s32 $0x80;
	s18 =	simm.s32 $0x400;
	s26 =	simm.s32 $0x0  }
0x16: {  	[tilespmem:s19], [sflag:$0x3] =	stream.strided.gather [hbm4b:s5+s2], $0x2780, s18, s2, $0x38;
	[tilespmem:$0x1F780] =	vst v63  }
0x17: {  	s31 =	simm.s32 $0x16780;
	s20 =	simm.s32 $0x200;
	s18 =	simm.s32 $0x0  }
0x18: {  	[tilespmem:s31], [sflag:$0x4] =	stream.linear.gather [hbm4b:s6+s26], $0x3E80, $0x38;
	[tilespmem:$0x1F780] =	vst v63  }
.LBB2_2:
0x19: {  	p0 =	sne.s32 s20, $0x9E00;
	[tilespmem:s18+$0x1A7F0] =	vst v0  }
0x1a: {  	[tilespmem:s18+$0x1A780] =	vst v0  }
0x1b: {  	[tilespmem:s18+$0x1A790] =	vst v0  }
.Ltmp0:
0x1c: {  	[tilespmem:s18+$0x1A7A0] =	vst v0;
	(pc) =	sbr.rel @p0 .LBB2_2-.Ltmp0, $4  }
0x1d: {  	[tilespmem:s18+$0x1A7B0] =	vst v0  }
0x1e: {  	[tilespmem:s18+$0x1A7C0] =	vst v0  }
0x1f: {  	[tilespmem:s18+$0x1A7D0] =	vst v0  }
0x20: {  	[tilespmem:s18+$0x1A7E0] =	vst v0;
	s18 =	sshra.s32 s20, $0x2;
	s20 =	sadd.s32 $0x200, s20  }
0x21: {  	[tilespmem:s18+$0x1A7F0] =	vst v0  }
0x22: {  	[tilespmem:s18+$0x1A780] =	vst v0  }
0x23: {  	[tilespmem:s18+$0x1A790] =	vst v0  }
0x24: {  	[tilespmem:s18+$0x1A7A0] =	vst v0  }
0x25: {  	[tilespmem:s18+$0x1A7B0] =	vst v0  }
0x26: {  	[tilespmem:s18+$0x1A7C0] =	vst v0  }
0x27: {  	[tilespmem:s18+$0x1A7D0] =	vst v0  }
0x28: {  	[tilespmem:s18+$0x1A7E0] =	vst v0  }
0x29: {  	[spmem:s7] =	stream.linear.scatter [tilespmem:s21], [sflag:$0x5], $0x2800, $0x38;
	[tilespmem:$0x1F780] =	vst v63  }
0x2a: {  	_ =	swait.ge [sflag:s22], $0x2800  }
0x2b: {  	[sflag:s22] =	ssyncset.done $0x0  }
0x2c: {  	[sflag:s22] =	ssyncadd.s32 $0xFFFFD800  }
0x2d: {  	[spmem:s10] =	stream.linear.scatter [tilespmem:s21], [sflag:$0x5], $0x2800, $0x38;
	[tilespmem:$0x1F780] =	vst v63  }
0x2e: {  	_ =	swait.ge [sflag:s22], $0x2800  }
0x2f: {  	[sflag:s22] =	ssyncset.done $0x0  }
0x30: {  	[sflag:s22] =	ssyncadd.s32 $0xFFFFD800  }
0x31: {  	[spmem:s11] =	stream.linear.scatter [tilespmem:s21], [sflag:$0x5], $0x2800, $0x38;
	[tilespmem:$0x1F780] =	vst v63  }
0x32: {  	_ =	swait.ge [sflag:s22], $0x2800  }
0x33: {  	[sflag:s22] =	ssyncset.done $0x0  }
0x34: {  	[sflag:s22] =	ssyncadd.s32 $0xFFFFD800  }
0x35: {  	[spmem:s12] =	stream.linear.scatter [tilespmem:s21], [sflag:$0x5], $0x2800, $0x38;
	[tilespmem:$0x1F780] =	vst v63  }
0x36: {  	_ =	swait.ge [sflag:s22], $0x2800  }
0x37: {  	[sflag:s22] =	ssyncset.done $0x0  }
0x38: {  	[sflag:s22] =	ssyncadd.s32 $0xFFFFD800  }
0x39: {  	[spmem:s13] =	stream.linear.scatter [tilespmem:s21], [sflag:$0x5], $0x2800, $0x38;
	[tilespmem:$0x1F780] =	vst v63  }
0x3a: {  	_ =	swait.ge [sflag:s22], $0x2800  }
0x3b: {  	[sflag:s22] =	ssyncset.done $0x0  }
0x3c: {  	[sflag:s22] =	ssyncadd.s32 $0xFFFFD800  }
0x3d: {  	[spmem:s14] =	stream.linear.scatter [tilespmem:s21], [sflag:$0x5], $0x2800, $0x38;
	[tilespmem:$0x1F780] =	vst v63  }
0x3e: {  	_ =	swait.ge [sflag:s22], $0x2800  }
0x3f: {  	[sflag:s22] =	ssyncset.done $0x0  }
0x40: {  	[sflag:s22] =	ssyncadd.s32 $0xFFFFD800  }
0x41: {  	[spmem:s15] =	stream.linear.scatter [tilespmem:s21], [sflag:$0x5], $0x2800, $0x38;
	[tilespmem:$0x1F780] =	vst v63  }
0x42: {  	_ =	swait.ge [sflag:s22], $0x2800  }
0x43: {  	[sflag:s22] =	ssyncset.done $0x0  }
0x44: {  	[sflag:s22] =	ssyncadd.s32 $0xFFFFD800  }
0x45: {  	[spmem:s16] =	stream.linear.scatter [tilespmem:s21], [sflag:$0x5], $0x2800, $0x38;
	[tilespmem:$0x1F780] =	vst v63  }
0x46: {  	_ =	swait.ge [sflag:s22], $0x2800  }
0x47: {  	[sflag:s22] =	ssyncset.done $0x0  }
0x48: {  	[sflag:s22] =	ssyncadd.s32 $0xFFFFD800  }
0x49: {  	_ =	swait.ge [sflag:s23], $0x2780  }
0x4a: {  	[sflag:s23] =	ssyncset.done $0x0  }
0x4b: {  	[sflag:s23] =	ssyncadd.s32 $0xFFFFD880  }
0x4c: {  	_ =	swait.ge [sflag:s24], $0x3E80  }
0x4d: {  	[sflag:s24] =	ssyncset.done $0x0  }
0x4e: {  	[sflag:s24] =	ssyncadd.s32 $0xFFFFC180  }
0x4f: {  	[tilespmem:s21], [sflag:$0x1] =	stream.indirect.gather [hbm4b:s1+s25], $0x80, s19, s25, $0xb8;
	[tilespmem:$0x1F780] =	vst v63  }
0x50: {  	s2 =	simm.s32 $0x14050  }
0x51: {  	[tilespmem:s28], [sflag:$0x2] =	stream.indirect.gather [hbm4b:s1+s25], $0x80, s2, s25, $0xb8;
	[tilespmem:$0x1F780] =	vst v63  }
0x52: {  	[bflag:$0x0] =	sbarrier.arrive $0xFFFF  }
0x53: {  	_ =	swait.ge [sflag:s29], $0x2800  }
0x54: {  	[sflag:s29] =	ssyncset.done $0x0  }
0x55: {  	s20 =	simm.s32 $0x16780;
	[sflag:s29] =	ssyncadd.s32 $0xFFFFD800  }
0x56: {  	[spmem:s3] =	stream.indirect.scatter.add.f32 [tilespmem:s21], [sflag:$0x5], $0x80, s20, s25, $0xb8;
	[tilespmem:$0x1F780] =	vst v63  }
0x57: {  	_ =	swait.ge [sflag:s22], $0x2800  }
0x58: {  	[sflag:s22] =	ssyncset.done $0x0  }
0x59: {  	s26 =	simm.s32 $0x140A0;
	[sflag:s22] =	ssyncadd.s32 $0xFFFFD800  }
0x5a: {  	[tilespmem:s21], [sflag:$0x1] =	stream.indirect.gather [hbm4b:s1+s25], $0x80, s26, s25, $0xb8;
	[tilespmem:$0x1F780] =	vst v63  }
0x5b: {  	_ =	swait.ge [sflag:s30], $0x2800  }
0x5c: {  	[sflag:s30] =	ssyncset.done $0x0  }
0x5d: {  	s31 =	simm.s32 $0x16800;
	[sflag:s30] =	ssyncadd.s32 $0xFFFFD800  }
0x5e: {  	[spmem:s3] =	stream.indirect.scatter.add.f32 [tilespmem:s28], [sflag:$0x5], $0x80, s31, s25, $0xb8;
	[tilespmem:$0x1F780] =	vst v63  }
0x5f: {  	_ =	swait.ge [sflag:s22], $0x2800  }
0x60: {  	s18 =	simm.s32 $0x140F0;
	[sflag:s22] =	ssyncset.done $0x0  }
0x61: {  	s20 =	simm.s32 $0x400;
	s26 =	simm.s32 $0x14190;
	[sflag:s22] =	ssyncadd.s32 $0xFFFFD800  }
.LBB2_4:
0x62: {  	[tilespmem:s28], [sflag:$0x2] =	stream.indirect.gather [hbm4b:s1+s25], $0x80, s18, s25, $0xb8;
	[tilespmem:$0x1F780] =	vst v63  }
0x63: {  	s31 =	smov.u32 s20;
	s18 =	smov.u32 s26  }
0x64: {  	p0 =	sne.s32 s20, $0xF000;
	s20 =	sadd.s32 $0x400, s20;
	_ =	swait.ge [sflag:s29], $0x2800  }
0x65: {  	s31 =	sshra.s32 s31, $0x2;
	[sflag:s29] =	ssyncset.done $0x0  }
0x66: {  	s2 =	sadd.s32 $0x16780, s31;
	[sflag:s29] =	ssyncadd.s32 $0xFFFFD800  }
0x67: {  	[spmem:s3] =	stream.indirect.scatter.add.f32 [tilespmem:s21], [sflag:$0x5], $0x80, s2, s25, $0xb8;
	[tilespmem:$0x1F780] =	vst v63  }
0x68: {  	_ =	swait.ge [sflag:s22], $0x2800  }
0x69: {  	[sflag:s22] =	ssyncset.done $0x0  }
0x6a: {  	s2 =	sadd.s32 $0xFFFFFFB0, s26;
	[sflag:s22] =	ssyncadd.s32 $0xFFFFD800  }
0x6b: {  	[tilespmem:s21], [sflag:$0x1] =	stream.indirect.gather [hbm4b:s1+s25], $0x80, s2, s25, $0xb8;
	[tilespmem:$0x1F780] =	vst v63  }
0x6c: {  	_ =	swait.ge [sflag:s30], $0x2800  }
0x6d: {  	[sflag:s30] =	ssyncset.done $0x0  }
.Ltmp1:
0x6e: {  	s2 =	sadd.s32 $0x16800, s31;
	[sflag:s30] =	ssyncadd.s32 $0xFFFFD800;
	(pc) =	sbr.rel @p0 .LBB2_4-.Ltmp1, $4  }
0x6f: {  	[spmem:s3] =	stream.indirect.scatter.add.f32 [tilespmem:s28], [sflag:$0x5], $0x80, s2, s25, $0xb8;
	[tilespmem:$0x1F780] =	vst v63  }
0x70: {  	_ =	swait.ge [sflag:s22], $0x2800  }
0x71: {  	[sflag:s22] =	ssyncset.done $0x0  }
0x72: {  	s26 =	sadd.s32 $0xA0, s26;
	[sflag:s22] =	ssyncadd.s32 $0xFFFFD800  }
0x73: {  	[tilespmem:s28], [sflag:$0x2] =	stream.indirect.gather [hbm4b:s1+s25], $0x80, s18, s25, $0xb8;
	[tilespmem:$0x1F780] =	vst v63  }
0x74: {  	_ =	swait.ge [sflag:s29], $0x2800  }
0x75: {  	[sflag:s29] =	ssyncset.done $0x0  }
0x76: {  	s2 =	simm.s32 $0x1A480;
	[sflag:s29] =	ssyncadd.s32 $0xFFFFD800  }
0x77: {  	[spmem:s3] =	stream.indirect.scatter.add.f32 [tilespmem:s21], [sflag:$0x5], $0x80, s2, s25, $0xb8;
	[tilespmem:$0x1F780] =	vst v63  }
0x78: {  	_ =	swait.ge [sflag:s22], $0x2800  }
0x79: {  	[sflag:s22] =	ssyncset.done $0x0  }
0x7a: {  	s20 =	simm.s32 $0x166C0;
	[sflag:s22] =	ssyncadd.s32 $0xFFFFD800  }
0x7b: {  	[tilespmem:s21], [sflag:$0x1] =	stream.indirect.gather [hbm4b:s1+s25], $0x80, s20, s25, $0xb8;
	[tilespmem:$0x1F780] =	vst v63  }
0x7c: {  	_ =	swait.ge [sflag:s30], $0x2800  }
0x7d: {  	[sflag:s30] =	ssyncset.done $0x0  }
0x7e: {  	[sflag:s30] =	ssyncadd.s32 $0xFFFFD800  }
0x7f: {  	[spmem:s3] =	stream.indirect.scatter.add.f32 [tilespmem:s28], [sflag:$0x5], $0x80, s4, s25, $0xb8;
	[tilespmem:$0x1F780] =	vst v63  }
0x80: {  	_ =	swait.ge [sflag:s22], $0x2800  }
0x81: {  	[sflag:s22] =	ssyncset.done $0x0  }
0x82: {  	[sflag:s22] =	ssyncadd.s32 $0xFFFFD800  }
0x83: {  	_ =	swait.ge [sflag:s29], $0x2800  }
0x84: {  	[sflag:s29] =	ssyncset.done $0x0  }
0x85: {  	[sflag:s29] =	ssyncadd.s32 $0xFFFFD800  }
0x86: {  	[spmem:s3] =	stream.indirect.scatter.add.f32 [tilespmem:s21], [sflag:$0x5], $0x80, s0, s25, $0xb8;
	[tilespmem:$0x1F780] =	vst v63  }
0x87: {  	s26 =	stileid.u32;
	_ =	swait.ge [sflag:s22], $0x2800  }
0x88: {  	s31 =	sshrl.u32 s7, $0x3;
	s17 =	sadd.s32 $0x1, s17;
	[sflag:s22] =	ssyncset.done $0x0  }
0x89: {  	p0 =	sne.s32 s17, s9;
	s2 =	sshll.u32 s26, $0x6;
	[sflag:s22] =	ssyncadd.s32 $0xFFFFD800  }
.Ltmp2:
0x8a: {  	s2 =	sor.u32 $0x1C05, s2;
	[bflag:$0x0] =	sbarrier.arrive $0xFFFF;
	(pc) =	sbr.rel @p0 .LBB2_1-.Ltmp2, $4  }
0x8b: {  	[hbm:s8], [sflag:s2] =	dma.local [spmem:s31], $0x2800  }
0x8c: {  	_ =	swait.ge [sflag:s22], $0x2800  }
0x8d: {  	[sflag:s22] =	ssyncset.done $0x0  }
0x8e: {  	[sflag:s22] =	ssyncadd.s32 $0xFFFFD800  }
0x8f: {  	_ =	sfence.sel $0x180000  }
0x90: {  	[bflag:$0x0] =	sbarrier.arrive $0xFFFF  }
0x91: {  	_ =	strace $0x90000047  }
0x92: {  	s0 =	stileid.u32;
	[bflag:$0x2] =	sbarrier.arrive $0xFFFF  }
0x93: {  	p0 =	sne.s32 s0, $0x0;
	s0 =	rddreg [dreg:$0x4]  }
0x94: {  	s0 =	sadd.s32 @!p0 $0x100000, s0  }
0x95: {  	[sflag:s0] =	ssyncadd.tile.s32 @!p0 $0x1;
	_ =	shalt  }
.Lfunc_end2:
_tile_overlayer_lowered:
.L_overlay_start_2:
0x96: {  	(tag) =	ssettag $0x2  }
0x97: {  	s0 =	rddreg [dreg:$0x0];
	s2 =	stileid.u32  }
0x98: {  	s1 =	rddreg [dreg:$0x1];
	p0 =	sne.s32 s2, $0x0  }
0x99: {  	s3 =	rddreg [dreg:$0x2];
	[bflag:$0x3] =	sbarrier.arrive $0xFFFF;
	s2 =	simm.s32 @!p0 $0x1C05  }
0x9a: {  	[timem:s3], [sflag:s2] =	dma.local @!p0 [hbm:s0], s1  }
0x9b: {  	s0 =	simm.s32 @!p0 $0x5  }
0x9c: {  	_ =	swait.ge @!p0 [sflag:s0], s1  }
0x9d: {  	s1 =	ssub.s32 @!p0 $0x0, s1;
	[sflag:s0] =	ssyncset.done @!p0 $0x0  }
0x9e: {  	[sflag:s0] =	ssyncadd.s32 @!p0 s1  }
0x9f: {  	[bflag:$0x3] =	sbarrier.arrive $0xFFFF  }
0xa0: {  	_ =	shalt  }

</sc_bundles>
